<compile_context>
chip_gen: v7x
topology: tpu7x:2x2x1
jax: 0.10.2.dev20260603
libtpu: 0.0.44.dev20260713+nightly
codegen_flags: <defaults>
</compile_context>

<pallas_src>
import jax
import jax.numpy as jnp
from jax import lax
from jax.experimental import pallas as pl
from jax.experimental.pallas import tpu as pltpu
from jax.experimental.pallas import tpu_sc as plsc

_B, _S = 1024, 50
_N = _B * _S
_VOCAB = 100000
_DC = 32
_DP = 32
_DB = 64
_NA = 8
_NF = 8
_FD = 32
_RA = _NA * _DB

_NC, _NS = 2, 16
_NW = _NC * _NS
_CH = 128
_NCH = _B // _CH
_L = 16


def _sc_gather_body(idx_hbm, enc_hbm, lwt_hbm, enc_out, lw_out,
                    idx_v, rows_v, lwT_v, sem):
    wid = lax.axis_index("s") * _NC + lax.axis_index("c")

    def do_panel(p):
        pltpu.sync_copy(idx_hbm.at[p], idx_v)
        copies = []
        for j in range(_NCH):
            copies.append(pltpu.async_copy(
                enc_hbm.at[idx_v.at[j]], rows_v.at[pl.ds(j * _CH, _CH)], sem))
        def lw_chunk(c, acc):
            for f in range(_NA):
                pltpu.async_copy(
                    lwt_hbm.at[f].at[idx_v.at[c]],
                    lwT_v.at[f, pl.ds(c * _CH, _CH)], sem)
            return acc
        lax.fori_loop(0, _NCH, lw_chunk, jnp.int32(0))
        for c in copies:
            c.wait()
        pltpu.make_async_copy(
            lwt_hbm.at[:, pl.ds(0, _B)], lwT_v, sem).wait()

        pltpu.sync_copy(rows_v, enc_out.at[pl.ds(p * _B, _B)])
        pltpu.sync_copy(lwT_v, lw_out.at[p])

    for c in range(2):
        p = wid + _NW * c
        @pl.when(p < _S)
        def _():
            do_panel(p)


@jax.jit
def _sc_gather(idx3, enc_table, lwt_table):
    mesh = plsc.VectorSubcoreMesh(core_axis_name="c", subcore_axis_name="s")
    return pl.kernel(
        _sc_gather_body,
        out_type=(
            jax.ShapeDtypeStruct((_N, _DC), jnp.float32),
            jax.ShapeDtypeStruct((_S, _NA, _B), jnp.float32),
        ),
        mesh=mesh,
        scratch_types=[
            pltpu.VMEM((_NCH, _CH), jnp.int32),
            pltpu.VMEM((_B, _DC), jnp.float32),
            pltpu.VMEM((_NA, _B), jnp.float32),
            pltpu.SemaphoreType.DMA,
        ],
        compiler_params=pltpu.CompilerParams(use_tc_tiling_on_sc=False),
    )(idx3, enc_table, lwt_table)


def _polysin(ang):
    n = jnp.round(ang * jnp.float32(1.0 / jnp.pi))
    r = ang - n * jnp.float32(jnp.pi)
    r2 = r * r
    p = jnp.float32(2.755732e-6) + r2 * jnp.float32(-2.5052108e-8)
    p = jnp.float32(-1.9841270e-4) + r2 * p
    p = jnp.float32(8.3333331e-3) + r2 * p
    p = jnp.float32(-1.6666667e-1) + r2 * p
    s = r * (jnp.float32(1.0) + r2 * p)
    sgn = jnp.left_shift(n.astype(jnp.int32), 31)
    return lax.bitcast_convert_type(
        lax.bitcast_convert_type(s, jnp.int32) ^ sgn, jnp.float32)


def _tc_body(g_ref, c_ref, xy_ref, k_ref, w3_ref, aoff_ref, sp_ref, out_ref):
    g4T = jnp.transpose(g_ref[...])
    gT = jnp.dot(g4T[0:32, :], sp_ref[0], preferred_element_type=jnp.float32)
    for q in range(1, 4):
        gT = gT + jnp.dot(g4T[32 * q:32 * q + 32, :], sp_ref[q],
                          preferred_element_type=jnp.float32)
    c = c_ref[0]
    for t in range(3):
        m = jnp.broadcast_to(c == t, (_DC, _B))
        sp = jnp.broadcast_to(k_ref[:, t + 3:t + 4], (_DC, _B))
        gT = jnp.where(m, sp, gT)
    x = jnp.broadcast_to(xy_ref[0, 0:1, :], (_FD, _B))
    y = jnp.broadcast_to(xy_ref[0, 1:2, :], (_FD, _B))
    half = jnp.broadcast_to(k_ref[:, 2:3] != 0, (_FD, _B))
    ang = jnp.where(half, x, y) * jnp.broadcast_to(k_ref[:, 0:1], (_FD, _B)) \
        + jnp.broadcast_to(k_ref[:, 1:2], (_FD, _B))
    fourT = _polysin(ang)
    gfT = jnp.concatenate([gT, fourT], axis=0)
    o = jnp.dot(w3_ref[...], gfT, preferred_element_type=jnp.float32)
    out_ref[0] = o + jnp.broadcast_to(aoff_ref[...], (_RA, _B))


@jax.jit
def _tc_dense(gT3, c3, xy3, k, w3, aoff, spread):
    return pl.pallas_call(
        _tc_body,
        grid=(_S,),
        in_specs=[
            pl.BlockSpec((_B * _DC // 128, 128), lambda i: (i, 0)),
            pl.BlockSpec((1, 1, _B), lambda i: (i, 0, 0)),
            pl.BlockSpec((1, 2, _B), lambda i: (i, 0, 0)),
            pl.BlockSpec((_DC, 8), lambda i: (0, 0)),
            pl.BlockSpec((_RA, _DB), lambda i: (0, 0)),
            pl.BlockSpec((_RA, 1), lambda i: (0, 0)),
            pl.BlockSpec((4, _B // 4, _B), lambda i: (0, 0, 0)),
        ],
        out_specs=pl.BlockSpec((1, _RA, _B), lambda i: (i, 0, 0)),
        out_shape=jax.ShapeDtypeStruct((_S, _RA, _B), jnp.float32),
        compiler_params=pltpu.CompilerParams(
            dimension_semantics=("parallel",)),
    )(gT3, c3, xy3, k, w3, aoff, spread)


def kernel(content, coords, content_encoding, special_pad, special_eos,
           special_empty, freqs, proj_W, atom_offsets, log_weights):
    content_T = content.T
    idx3 = content_T.reshape(_S, _NCH, _CH)
    encT3, lwT3 = _sc_gather(idx3, content_encoding, log_weights.T)

    f = freqs.astype(jnp.float32)
    rep2 = jnp.repeat(f, 2)
    frow = jnp.concatenate([rep2, rep2])
    phase = jnp.tile(jnp.array([0.0, 1.0], jnp.float32), _FD // 2) \
        * jnp.float32(jnp.pi / 2)
    half = (jnp.arange(_FD) < 16).astype(jnp.float32)
    k = jnp.stack([frow, phase, half, special_pad, special_eos,
                   special_empty, jnp.zeros((_FD,), jnp.float32),
                   jnp.zeros((_FD,), jnp.float32)], axis=1)
    blkT = jnp.zeros((_DB, _DB), jnp.float32)
    blkT = blkT.at[:_DC, :_DC].set(jnp.eye(_DC, dtype=jnp.float32))
    blkT = blkT.at[_DC:, _DC:].set(proj_W.astype(jnp.float32))
    w3 = jnp.tile(blkT, (_NA, 1))
    aoffT = atom_offsets.reshape(_RA, 1)

    rr = jnp.arange(_B // 4, dtype=jnp.int32)
    cc = jnp.arange(_B, dtype=jnp.int32)
    qq = jnp.arange(4, dtype=jnp.int32)
    spread = (cc[None, None, :] ==
              4 * rr[None, :, None] + qq[:, None, None]).astype(jnp.float32)

    c3 = content_T.reshape(_S, 1, _B)
    xy3 = coords.transpose(1, 2, 0)
    enc_packed = encT3.reshape(_N * _DC // 128, 128)
    out3 = _tc_dense(enc_packed, c3, xy3, k, w3, aoffT, spread)
    atoms = out3.reshape(_S, _NA, _DB, _B).transpose(3, 0, 1, 2)
    return atoms, lwT3.transpose(2, 0, 1)

# --- scband reference (transcript-rebuilt; emitter-appended) ---
"""Pipeline reference for scband-general-kmeembedding-54924041781484 (READ-ONLY COPY).

The authoritative reference and input builder live on the scoring server;
editing this copy changes nothing except your own understanding.
"""

import math
import jax, jax.numpy as jnp
import numpy as np

B, S = 1024, 50
VOCAB = 100000
D_BASE = 64
NUM_ATOMS = 8
NUM_FREQ = 8
D_CONTENT = D_BASE // 2
D_POS = D_BASE - D_CONTENT
FOURIER_DIM = 2 * 2 * NUM_FREQ


def setup_inputs(seed: int = 0) -> dict:
    key = jax.random.key(seed)
    ks = jax.random.split(key, 10)
    content = jax.random.randint(ks[0], (B, S), 0, VOCAB, dtype=jnp.int32)
    coords = jax.random.uniform(ks[1], (B, S, 2), dtype=jnp.float32)
    # content encoding buffer: vocab > d_content -> normalized gaussian rows
    enc = jax.random.normal(ks[2], (VOCAB, D_CONTENT), dtype=jnp.float32)
    enc = enc / jnp.linalg.norm(enc, axis=-1, keepdims=True)
    special_pad = jax.random.normal(ks[3], (D_CONTENT,), dtype=jnp.float32) * 0.5
    special_eos = jax.random.normal(ks[4], (D_CONTENT,), dtype=jnp.float32) * 0.5
    special_empty = jax.random.normal(ks[5], (D_CONTENT,), dtype=jnp.float32) * 0.5
    freqs = (2.0 ** jnp.arange(NUM_FREQ, dtype=jnp.float32)) * math.pi
    lim = 1.0 / math.sqrt(FOURIER_DIM)
    proj_W = jax.random.uniform(ks[6], (D_POS, FOURIER_DIM), dtype=jnp.float32, minval=-lim, maxval=lim)
    atom_offsets = jax.random.normal(ks[7], (NUM_ATOMS, D_BASE), dtype=jnp.float32) * 1.0
    log_weights = jnp.zeros((VOCAB, NUM_ATOMS), dtype=jnp.float32)
    return {
        "content": content,
        "coords": coords,
        "content_encoding": enc,
        "special_pad": special_pad,
        "special_eos": special_eos,
        "special_empty": special_empty,
        "freqs": freqs,
        "proj_W": proj_W,
        "atom_offsets": atom_offsets,
        "log_weights": log_weights,
    }


def reference(content, coords, content_encoding, special_pad, special_eos, special_empty, freqs, proj_W, atom_offsets, log_weights):
    # content embedding gather (memory-bound): [B, S, d_content]
    content_enc = jnp.take(content_encoding, content, axis=0)
    # special-token overrides (pad=0, eos=1, empty=2)
    for tid, emb in ((0, special_pad), (1, special_eos), (2, special_empty)):
        mask = (content == tid)[..., None]
        content_enc = jnp.where(mask, emb, content_enc)
    # fourier position encoding (grid_size=None -> coords already normalized)
    scaled = coords[..., None] * freqs  # [B, S, 2, nf]
    fourier = jnp.stack([jnp.sin(scaled), jnp.cos(scaled)], axis=-1)  # [B, S, 2, nf, 2]
    fourier = fourier.reshape(fourier.shape[:-3] + (FOURIER_DIM,))  # [B, S, 32]
    pos_enc = fourier @ proj_W.T  # [B, S, d_pos]
    base = jnp.concatenate([content_enc, pos_enc], axis=-1)  # [B, S, d_base]
    atoms = base[:, :, None, :] + atom_offsets  # [B, S, num_atoms, d_base]
    lw = jnp.take(log_weights, content, axis=0)  # [B, S, num_atoms]
    return atoms, lw


if False:  # reference __main__ guard neutralized (emitter)
    out = reference(**setup_inputs())
    print(out[0].shape, out[1].shape)

if __name__ == "__main__":
    import jax
    _d = setup_inputs()
    print(jax.jit(kernel)(*tuple(_d.values())))

</pallas_src>

<mosaic_0001>
#map = affine_map<(d0, d1) -> (0, 0, 0)>
#map1 = affine_map<(d0, d1) -> (0, 0)>
module attributes {stable_mosaic.version = 14 : i64} {
  func.func @_sc_gather_body(%arg0: i32, %arg1: i32, %arg2: memref<50x8x128xi32, #tpu.memory_space<hbm>>, %arg3: memref<100000x32xf32, #tpu.memory_space<hbm>>, %arg4: memref<8x100000xf32, #tpu.memory_space<hbm>>, %arg5: memref<51200x32xf32, #tpu.memory_space<hbm>>, %arg6: memref<50x8x1024xf32, #tpu.memory_space<hbm>>, %arg7: memref<8x128xi32, #tpu.memory_space<vmem>>, %arg8: memref<1024x32xf32, #tpu.memory_space<vmem>>, %arg9: memref<8x1024xf32, #tpu.memory_space<vmem>>, %arg10: memref<!tpu.dma_semaphore, #tpu.memory_space<semaphore_mem>>) attributes {dimension_semantics = [#tpu.dimension_semantics<core_parallel>, #tpu.dimension_semantics<subcore_parallel>], iteration_bounds = array<i64: 2, 16>, scalar_prefetch = 0 : i64, scratch_operands = 4 : i64, tpu.core_type = #tpu.core_type<sc_vector_subcore>, window_params = [{transform_indices = #map}, {transform_indices = #map1}, {transform_indices = #map1}, {transform_indices = #map1}, {transform_indices = #map}]} {
    %mul3A = arith.constant 2 : i32
    %mul3A_0 = arith.muli %arg1, %mul3A : i32
    %add3A = arith.addi %mul3A_0, %arg0 : i32
    %add3A_1 = arith.constant 0 : i32
    %add3A_2 = arith.addi %add3A, %add3A_1 : i32
    %lt3A = arith.constant 50 : i32
    %lt3A_3 = arith.cmpi slt, %add3A_2, %lt3A : i32
    %convert_element_type3A = arith.extui %lt3A_3 : i1 to i32
    %cond3A = arith.constant 0 : i32
    %cond3A_4 = arith.cmpi ne, %convert_element_type3A, %cond3A : i32
    scf.if %cond3A_4 {
      "tpu.region"() ({
        %run_scoped3A = tpu.sem_alloc : memref<!tpu.dma_semaphore, #tpu.memory_space<semaphore_mem>>
        %dma_start3A_183 = arith.constant 0 : i32
        %dma_start3A_184 = arith.constant 0 : i32
        %dma_start3A_185 = tpu.memref_slice %arg2[%add3A_2, %dma_start3A_183, %dma_start3A_184] : memref<50x8x128xi32, #tpu.memory_space<hbm>> -> memref<1x8x128xi32, #tpu.memory_space<hbm>>
        %dma_start3A_186 = tpu.memref_squeeze %dma_start3A_185 : memref<1x8x128xi32, #tpu.memory_space<hbm>> -> memref<8x128xi32, #tpu.memory_space<hbm>>
        %dma_start3A_187 = arith.constant 0 : i32
        %dma_start3A_188 = arith.constant 0 : i32
        %dma_start3A_189 = tpu.memref_slice %arg2[%add3A_2, %dma_start3A_187, %dma_start3A_188] : memref<50x8x128xi32, #tpu.memory_space<hbm>> -> memref<1x8x128xi32, #tpu.memory_space<hbm>>
        %dma_start3A_190 = tpu.memref_squeeze %dma_start3A_189 : memref<1x8x128xi32, #tpu.memory_space<hbm>> -> memref<8x128xi32, #tpu.memory_space<hbm>>
        tpu.enqueue_dma source(%dma_start3A_190 : memref<8x128xi32, #tpu.memory_space<hbm>>) target(%arg7 : memref<8x128xi32, #tpu.memory_space<vmem>>) target_semaphore(%run_scoped3A : memref<!tpu.dma_semaphore, #tpu.memory_space<semaphore_mem>>)
        %dma_wait3A_191 = arith.constant 0 : i32
        %dma_wait3A_192 = arith.constant 0 : i32
        %dma_wait3A_193 = tpu.memref_slice %arg2[%add3A_2, %dma_wait3A_191, %dma_wait3A_192] : memref<50x8x128xi32, #tpu.memory_space<hbm>> -> memref<1x8x128xi32, #tpu.memory_space<hbm>>
        %dma_wait3A_194 = tpu.memref_squeeze %dma_wait3A_193 : memref<1x8x128xi32, #tpu.memory_space<hbm>> -> memref<8x128xi32, #tpu.memory_space<hbm>>
        %dma_wait3A_195 = arith.constant 0 : i32
        %dma_wait3A_196 = arith.constant 0 : i32
        %dma_wait3A_197 = tpu.memref_slice %arg2[%add3A_2, %dma_wait3A_195, %dma_wait3A_196] : memref<50x8x128xi32, #tpu.memory_space<hbm>> -> memref<1x8x128xi32, #tpu.memory_space<hbm>>
        %dma_wait3A_198 = tpu.memref_squeeze %dma_wait3A_197 : memref<1x8x128xi32, #tpu.memory_space<hbm>> -> memref<8x128xi32, #tpu.memory_space<hbm>>
        tpu.wait_dma2 semaphore(%run_scoped3A : memref<!tpu.dma_semaphore, #tpu.memory_space<semaphore_mem>>) src(%dma_wait3A_198 : memref<8x128xi32, #tpu.memory_space<hbm>>) dst(%arg7 : memref<8x128xi32, #tpu.memory_space<vmem>>)
        tpu.yield
      }) : () -> ()
      %dma_start3A = arith.constant 0 : i32
      %dma_start3A_12 = arith.constant 0 : i32
      %dma_start3A_13 = arith.constant 0 : i32
      %dma_start3A_14 = tpu.memref_slice %arg8[%dma_start3A_12, %dma_start3A_13] : memref<1024x32xf32, #tpu.memory_space<vmem>> -> memref<128x32xf32, #tpu.memory_space<vmem>>
      %dma_start3A_15 = arith.constant 0 : i32
      %dma_start3A_16 = tpu.memref_slice %arg7[%dma_start3A, %dma_start3A_15] : memref<8x128xi32, #tpu.memory_space<vmem>> -> memref<1x128xi32, #tpu.memory_space<vmem>>
      %dma_start3A_17 = tpu.memref_squeeze %dma_start3A_16 : memref<1x128xi32, #tpu.memory_space<vmem>> -> memref<128xi32, #tpu.memory_space<vmem>>
      %dma_start3A_18 = arith.constant 0 : i32
      %dma_start3A_19 = arith.constant 0 : i32
      %dma_start3A_20 = tpu.memref_slice %arg3[%dma_start3A_18, %dma_start3A_19] : memref<100000x32xf32, #tpu.memory_space<hbm>> -> memref<100000x32xf32, #tpu.memory_space<hbm>>
      tpu.enqueue_indirect_dma source(%dma_start3A_20 : memref<100000x32xf32, #tpu.memory_space<hbm>>) target(%dma_start3A_14 : memref<128x32xf32, #tpu.memory_space<vmem>>) offsets(%dma_start3A_17 : memref<128xi32, #tpu.memory_space<vmem>>) semaphore(%arg10 : memref<!tpu.dma_semaphore, #tpu.memory_space<semaphore_mem>>)
      %dma_start3A_21 = arith.constant 1 : i32
      %dma_start3A_22 = arith.constant 128 : i32
      %dma_start3A_23 = arith.constant 0 : i32
      %dma_start3A_24 = tpu.memref_slice %arg8[%dma_start3A_22, %dma_start3A_23] : memref<1024x32xf32, #tpu.memory_space<vmem>> -> memref<128x32xf32, #tpu.memory_space<vmem>>
      %dma_start3A_25 = arith.constant 0 : i32
      %dma_start3A_26 = tpu.memref_slice %arg7[%dma_start3A_21, %dma_start3A_25] : memref<8x128xi32, #tpu.memory_space<vmem>> -> memref<1x128xi32, #tpu.memory_space<vmem>>
      %dma_start3A_27 = tpu.memref_squeeze %dma_start3A_26 : memref<1x128xi32, #tpu.memory_space<vmem>> -> memref<128xi32, #tpu.memory_space<vmem>>
      %dma_start3A_28 = arith.constant 0 : i32
      %dma_start3A_29 = arith.constant 0 : i32
      %dma_start3A_30 = tpu.memref_slice %arg3[%dma_start3A_28, %dma_start3A_29] : memref<100000x32xf32, #tpu.memory_space<hbm>> -> memref<100000x32xf32, #tpu.memory_space<hbm>>
      tpu.enqueue_indirect_dma source(%dma_start3A_30 : memref<100000x32xf32, #tpu.memory_space<hbm>>) target(%dma_start3A_24 : memref<128x32xf32, #tpu.memory_space<vmem>>) offsets(%dma_start3A_27 : memref<128xi32, #tpu.memory_space<vmem>>) semaphore(%arg10 : memref<!tpu.dma_semaphore, #tpu.memory_space<semaphore_mem>>)
      %dma_start3A_31 = arith.constant 2 : i32
      %dma_start3A_32 = arith.constant 256 : i32
      %dma_start3A_33 = arith.constant 0 : i32
      %dma_start3A_34 = tpu.memref_slice %arg8[%dma_start3A_32, %dma_start3A_33] : memref<1024x32xf32, #tpu.memory_space<vmem>> -> memref<128x32xf32, #tpu.memory_space<vmem>>
      %dma_start3A_35 = arith.constant 0 : i32
      %dma_start3A_36 = tpu.memref_slice %arg7[%dma_start3A_31, %dma_start3A_35] : memref<8x128xi32, #tpu.memory_space<vmem>> -> memref<1x128xi32, #tpu.memory_space<vmem>>
      %dma_start3A_37 = tpu.memref_squeeze %dma_start3A_36 : memref<1x128xi32, #tpu.memory_space<vmem>> -> memref<128xi32, #tpu.memory_space<vmem>>
      %dma_start3A_38 = arith.constant 0 : i32
      %dma_start3A_39 = arith.constant 0 : i32
      %dma_start3A_40 = tpu.memref_slice %arg3[%dma_start3A_38, %dma_start3A_39] : memref<100000x32xf32, #tpu.memory_space<hbm>> -> memref<100000x32xf32, #tpu.memory_space<hbm>>
      tpu.enqueue_indirect_dma source(%dma_start3A_40 : memref<100000x32xf32, #tpu.memory_space<hbm>>) target(%dma_start3A_34 : memref<128x32xf32, #tpu.memory_space<vmem>>) offsets(%dma_start3A_37 : memref<128xi32, #tpu.memory_space<vmem>>) semaphore(%arg10 : memref<!tpu.dma_semaphore, #tpu.memory_space<semaphore_mem>>)
      %dma_start3A_41 = arith.constant 3 : i32
      %dma_start3A_42 = arith.constant 384 : i32
      %dma_start3A_43 = arith.constant 0 : i32
      %dma_start3A_44 = tpu.memref_slice %arg8[%dma_start3A_42, %dma_start3A_43] : memref<1024x32xf32, #tpu.memory_space<vmem>> -> memref<128x32xf32, #tpu.memory_space<vmem>>
      %dma_start3A_45 = arith.constant 0 : i32
      %dma_start3A_46 = tpu.memref_slice %arg7[%dma_start3A_41, %dma_start3A_45] : memref<8x128xi32, #tpu.memory_space<vmem>> -> memref<1x128xi32, #tpu.memory_space<vmem>>
      %dma_start3A_47 = tpu.memref_squeeze %dma_start3A_46 : memref<1x128xi32, #tpu.memory_space<vmem>> -> memref<128xi32, #tpu.memory_space<vmem>>
      %dma_start3A_48 = arith.constant 0 : i32
      %dma_start3A_49 = arith.constant 0 : i32
      %dma_start3A_50 = tpu.memref_slice %arg3[%dma_start3A_48, %dma_start3A_49] : memref<100000x32xf32, #tpu.memory_space<hbm>> -> memref<100000x32xf32, #tpu.memory_space<hbm>>
      tpu.enqueue_indirect_dma source(%dma_start3A_50 : memref<100000x32xf32, #tpu.memory_space<hbm>>) target(%dma_start3A_44 : memref<128x32xf32, #tpu.memory_space<vmem>>) offsets(%dma_start3A_47 : memref<128xi32, #tpu.memory_space<vmem>>) semaphore(%arg10 : memref<!tpu.dma_semaphore, #tpu.memory_space<semaphore_mem>>)
      %dma_start3A_51 = arith.constant 4 : i32
      %dma_start3A_52 = arith.constant 512 : i32
      %dma_start3A_53 = arith.constant 0 : i32
      %dma_start3A_54 = tpu.memref_slice %arg8[%dma_start3A_52, %dma_start3A_53] : memref<1024x32xf32, #tpu.memory_space<vmem>> -> memref<128x32xf32, #tpu.memory_space<vmem>>
      %dma_start3A_55 = arith.constant 0 : i32
      %dma_start3A_56 = tpu.memref_slice %arg7[%dma_start3A_51, %dma_start3A_55] : memref<8x128xi32, #tpu.memory_space<vmem>> -> memref<1x128xi32, #tpu.memory_space<vmem>>
      %dma_start3A_57 = tpu.memref_squeeze %dma_start3A_56 : memref<1x128xi32, #tpu.memory_space<vmem>> -> memref<128xi32, #tpu.memory_space<vmem>>
      %dma_start3A_58 = arith.constant 0 : i32
      %dma_start3A_59 = arith.constant 0 : i32
      %dma_start3A_60 = tpu.memref_slice %arg3[%dma_start3A_58, %dma_start3A_59] : memref<100000x32xf32, #tpu.memory_space<hbm>> -> memref<100000x32xf32, #tpu.memory_space<hbm>>
      tpu.enqueue_indirect_dma source(%dma_start3A_60 : memref<100000x32xf32, #tpu.memory_space<hbm>>) target(%dma_start3A_54 : memref<128x32xf32, #tpu.memory_space<vmem>>) offsets(%dma_start3A_57 : memref<128xi32, #tpu.memory_space<vmem>>) semaphore(%arg10 : memref<!tpu.dma_semaphore, #tpu.memory_space<semaphore_mem>>)
      %dma_start3A_61 = arith.constant 5 : i32
      %dma_start3A_62 = arith.constant 640 : i32
      %dma_start3A_63 = arith.constant 0 : i32
      %dma_start3A_64 = tpu.memref_slice %arg8[%dma_start3A_62, %dma_start3A_63] : memref<1024x32xf32, #tpu.memory_space<vmem>> -> memref<128x32xf32, #tpu.memory_space<vmem>>
      %dma_start3A_65 = arith.constant 0 : i32
      %dma_start3A_66 = tpu.memref_slice %arg7[%dma_start3A_61, %dma_start3A_65] : memref<8x128xi32, #tpu.memory_space<vmem>> -> memref<1x128xi32, #tpu.memory_space<vmem>>
      %dma_start3A_67 = tpu.memref_squeeze %dma_start3A_66 : memref<1x128xi32, #tpu.memory_space<vmem>> -> memref<128xi32, #tpu.memory_space<vmem>>
      %dma_start3A_68 = arith.constant 0 : i32
      %dma_start3A_69 = arith.constant 0 : i32
      %dma_start3A_70 = tpu.memref_slice %arg3[%dma_start3A_68, %dma_start3A_69] : memref<100000x32xf32, #tpu.memory_space<hbm>> -> memref<100000x32xf32, #tpu.memory_space<hbm>>
      tpu.enqueue_indirect_dma source(%dma_start3A_70 : memref<100000x32xf32, #tpu.memory_space<hbm>>) target(%dma_start3A_64 : memref<128x32xf32, #tpu.memory_space<vmem>>) offsets(%dma_start3A_67 : memref<128xi32, #tpu.memory_space<vmem>>) semaphore(%arg10 : memref<!tpu.dma_semaphore, #tpu.memory_space<semaphore_mem>>)
      %dma_start3A_71 = arith.constant 6 : i32
      %dma_start3A_72 = arith.constant 768 : i32
      %dma_start3A_73 = arith.constant 0 : i32
      %dma_start3A_74 = tpu.memref_slice %arg8[%dma_start3A_72, %dma_start3A_73] : memref<1024x32xf32, #tpu.memory_space<vmem>> -> memref<128x32xf32, #tpu.memory_space<vmem>>
      %dma_start3A_75 = arith.constant 0 : i32
      %dma_start3A_76 = tpu.memref_slice %arg7[%dma_start3A_71, %dma_start3A_75] : memref<8x128xi32, #tpu.memory_space<vmem>> -> memref<1x128xi32, #tpu.memory_space<vmem>>
      %dma_start3A_77 = tpu.memref_squeeze %dma_start3A_76 : memref<1x128xi32, #tpu.memory_space<vmem>> -> memref<128xi32, #tpu.memory_space<vmem>>
      %dma_start3A_78 = arith.constant 0 : i32
      %dma_start3A_79 = arith.constant 0 : i32
      %dma_start3A_80 = tpu.memref_slice %arg3[%dma_start3A_78, %dma_start3A_79] : memref<100000x32xf32, #tpu.memory_space<hbm>> -> memref<100000x32xf32, #tpu.memory_space<hbm>>
      tpu.enqueue_indirect_dma source(%dma_start3A_80 : memref<100000x32xf32, #tpu.memory_space<hbm>>) target(%dma_start3A_74 : memref<128x32xf32, #tpu.memory_space<vmem>>) offsets(%dma_start3A_77 : memref<128xi32, #tpu.memory_space<vmem>>) semaphore(%arg10 : memref<!tpu.dma_semaphore, #tpu.memory_space<semaphore_mem>>)
      %dma_start3A_81 = arith.constant 7 : i32
      %dma_start3A_82 = arith.constant 896 : i32
      %dma_start3A_83 = arith.constant 0 : i32
      %dma_start3A_84 = tpu.memref_slice %arg8[%dma_start3A_82, %dma_start3A_83] : memref<1024x32xf32, #tpu.memory_space<vmem>> -> memref<128x32xf32, #tpu.memory_space<vmem>>
      %dma_start3A_85 = arith.constant 0 : i32
      %dma_start3A_86 = tpu.memref_slice %arg7[%dma_start3A_81, %dma_start3A_85] : memref<8x128xi32, #tpu.memory_space<vmem>> -> memref<1x128xi32, #tpu.memory_space<vmem>>
      %dma_start3A_87 = tpu.memref_squeeze %dma_start3A_86 : memref<1x128xi32, #tpu.memory_space<vmem>> -> memref<128xi32, #tpu.memory_space<vmem>>
      %dma_start3A_88 = arith.constant 0 : i32
      %dma_start3A_89 = arith.constant 0 : i32
      %dma_start3A_90 = tpu.memref_slice %arg3[%dma_start3A_88, %dma_start3A_89] : memref<100000x32xf32, #tpu.memory_space<hbm>> -> memref<100000x32xf32, #tpu.memory_space<hbm>>
      tpu.enqueue_indirect_dma source(%dma_start3A_90 : memref<100000x32xf32, #tpu.memory_space<hbm>>) target(%dma_start3A_84 : memref<128x32xf32, #tpu.memory_space<vmem>>) offsets(%dma_start3A_87 : memref<128xi32, #tpu.memory_space<vmem>>) semaphore(%arg10 : memref<!tpu.dma_semaphore, #tpu.memory_space<semaphore_mem>>)
      %scan3A = arith.constant 0 : i32
      %scan3A_91 = arith.constant 0 : i32
      %scan3A_92 = arith.constant 8 : i32
      %scan3A_93 = arith.addi %scan3A_91, %scan3A_92 : i32
      %scan3A_94 = arith.constant 1 : i32
      scf.for %scan3A_183 = %scan3A_91 to %scan3A_93 step %scan3A_94  : i32 {
        %mul3A_184 = arith.constant 128 : i32
        %mul3A_185 = arith.muli %scan3A_183, %mul3A_184 : i32
        %dma_start3A_186 = arith.constant 0 : i32
        %dma_start3A_187 = arith.constant 0 : i32
        %dma_start3A_188 = tpu.memref_slice %arg9[%dma_start3A_187, %mul3A_185] : memref<8x1024xf32, #tpu.memory_space<vmem>> -> memref<1x128xf32, #tpu.memory_space<vmem>>
        %dma_start3A_189 = tpu.memref_squeeze %dma_start3A_188 : memref<1x128xf32, #tpu.memory_space<vmem>> -> memref<128xf32, #tpu.memory_space<vmem>>
        %dma_start3A_190 = arith.constant 0 : i32
        %dma_start3A_191 = tpu.memref_slice %arg7[%scan3A_183, %dma_start3A_190] : memref<8x128xi32, #tpu.memory_space<vmem>> -> memref<1x128xi32, #tpu.memory_space<vmem>>
        %dma_start3A_192 = tpu.memref_squeeze %dma_start3A_191 : memref<1x128xi32, #tpu.memory_space<vmem>> -> memref<128xi32, #tpu.memory_space<vmem>>
        %dma_start3A_193 = arith.constant 0 : i32
        %dma_start3A_194 = tpu.memref_slice %arg4[%dma_start3A_186, %dma_start3A_193] : memref<8x100000xf32, #tpu.memory_space<hbm>> -> memref<1x100000xf32, #tpu.memory_space<hbm>>
        %dma_start3A_195 = tpu.memref_squeeze %dma_start3A_194 : memref<1x100000xf32, #tpu.memory_space<hbm>> -> memref<100000xf32, #tpu.memory_space<hbm>>
        %dma_start3A_196 = arith.constant 0 : i32
        %dma_start3A_197 = tpu.memref_slice %dma_start3A_195[%dma_start3A_196] : memref<100000xf32, #tpu.memory_space<hbm>> -> memref<100000xf32, #tpu.memory_space<hbm>>
        tpu.enqueue_indirect_dma source(%dma_start3A_197 : memref<100000xf32, #tpu.memory_space<hbm>>) target(%dma_start3A_189 : memref<128xf32, #tpu.memory_space<vmem>>) offsets(%dma_start3A_192 : memref<128xi32, #tpu.memory_space<vmem>>) semaphore(%arg10 : memref<!tpu.dma_semaphore, #tpu.memory_space<semaphore_mem>>)
        %mul3A_198 = arith.constant 128 : i32
        %mul3A_199 = arith.muli %scan3A_183, %mul3A_198 : i32
        %dma_start3A_200 = arith.constant 1 : i32
        %dma_start3A_201 = arith.constant 1 : i32
        %dma_start3A_202 = tpu.memref_slice %arg9[%dma_start3A_201, %mul3A_199] : memref<8x1024xf32, #tpu.memory_space<vmem>> -> memref<1x128xf32, #tpu.memory_space<vmem>>
        %dma_start3A_203 = tpu.memref_squeeze %dma_start3A_202 : memref<1x128xf32, #tpu.memory_space<vmem>> -> memref<128xf32, #tpu.memory_space<vmem>>
        %dma_start3A_204 = arith.constant 0 : i32
        %dma_start3A_205 = tpu.memref_slice %arg7[%scan3A_183, %dma_start3A_204] : memref<8x128xi32, #tpu.memory_space<vmem>> -> memref<1x128xi32, #tpu.memory_space<vmem>>
        %dma_start3A_206 = tpu.memref_squeeze %dma_start3A_205 : memref<1x128xi32, #tpu.memory_space<vmem>> -> memref<128xi32, #tpu.memory_space<vmem>>
        %dma_start3A_207 = arith.constant 0 : i32
        %dma_start3A_208 = tpu.memref_slice %arg4[%dma_start3A_200, %dma_start3A_207] : memref<8x100000xf32, #tpu.memory_space<hbm>> -> memref<1x100000xf32, #tpu.memory_space<hbm>>
        %dma_start3A_209 = tpu.memref_squeeze %dma_start3A_208 : memref<1x100000xf32, #tpu.memory_space<hbm>> -> memref<100000xf32, #tpu.memory_space<hbm>>
        %dma_start3A_210 = arith.constant 0 : i32
        %dma_start3A_211 = tpu.memref_slice %dma_start3A_209[%dma_start3A_210] : memref<100000xf32, #tpu.memory_space<hbm>> -> memref<100000xf32, #tpu.memory_space<hbm>>
        tpu.enqueue_indirect_dma source(%dma_start3A_211 : memref<100000xf32, #tpu.memory_space<hbm>>) target(%dma_start3A_203 : memref<128xf32, #tpu.memory_space<vmem>>) offsets(%dma_start3A_206 : memref<128xi32, #tpu.memory_space<vmem>>) semaphore(%arg10 : memref<!tpu.dma_semaphore, #tpu.memory_space<semaphore_mem>>)
        %mul3A_212 = arith.constant 128 : i32
        %mul3A_213 = arith.muli %scan3A_183, %mul3A_212 : i32
        %dma_start3A_214 = arith.constant 2 : i32
        %dma_start3A_215 = arith.constant 2 : i32
        %dma_start3A_216 = tpu.memref_slice %arg9[%dma_start3A_215, %mul3A_213] : memref<8x1024xf32, #tpu.memory_space<vmem>> -> memref<1x128xf32, #tpu.memory_space<vmem>>
        %dma_start3A_217 = tpu.memref_squeeze %dma_start3A_216 : memref<1x128xf32, #tpu.memory_space<vmem>> -> memref<128xf32, #tpu.memory_space<vmem>>
        %dma_start3A_218 = arith.constant 0 : i32
        %dma_start3A_219 = tpu.memref_slice %arg7[%scan3A_183, %dma_start3A_218] : memref<8x128xi32, #tpu.memory_space<vmem>> -> memref<1x128xi32, #tpu.memory_space<vmem>>
        %dma_start3A_220 = tpu.memref_squeeze %dma_start3A_219 : memref<1x128xi32, #tpu.memory_space<vmem>> -> memref<128xi32, #tpu.memory_space<vmem>>
        %dma_start3A_221 = arith.constant 0 : i32
        %dma_start3A_222 = tpu.memref_slice %arg4[%dma_start3A_214, %dma_start3A_221] : memref<8x100000xf32, #tpu.memory_space<hbm>> -> memref<1x100000xf32, #tpu.memory_space<hbm>>
        %dma_start3A_223 = tpu.memref_squeeze %dma_start3A_222 : memref<1x100000xf32, #tpu.memory_space<hbm>> -> memref<100000xf32, #tpu.memory_space<hbm>>
        %dma_start3A_224 = arith.constant 0 : i32
        %dma_start3A_225 = tpu.memref_slice %dma_start3A_223[%dma_start3A_224] : memref<100000xf32, #tpu.memory_space<hbm>> -> memref<100000xf32, #tpu.memory_space<hbm>>
        tpu.enqueue_indirect_dma source(%dma_start3A_225 : memref<100000xf32, #tpu.memory_space<hbm>>) target(%dma_start3A_217 : memref<128xf32, #tpu.memory_space<vmem>>) offsets(%dma_start3A_220 : memref<128xi32, #tpu.memory_space<vmem>>) semaphore(%arg10 : memref<!tpu.dma_semaphore, #tpu.memory_space<semaphore_mem>>)
        %mul3A_226 = arith.constant 128 : i32
        %mul3A_227 = arith.muli %scan3A_183, %mul3A_226 : i32
        %dma_start3A_228 = arith.constant 3 : i32
        %dma_start3A_229 = arith.constant 3 : i32
        %dma_start3A_230 = tpu.memref_slice %arg9[%dma_start3A_229, %mul3A_227] : memref<8x1024xf32, #tpu.memory_space<vmem>> -> memref<1x128xf32, #tpu.memory_space<vmem>>
        %dma_start3A_231 = tpu.memref_squeeze %dma_start3A_230 : memref<1x128xf32, #tpu.memory_space<vmem>> -> memref<128xf32, #tpu.memory_space<vmem>>
        %dma_start3A_232 = arith.constant 0 : i32
        %dma_start3A_233 = tpu.memref_slice %arg7[%scan3A_183, %dma_start3A_232] : memref<8x128xi32, #tpu.memory_space<vmem>> -> memref<1x128xi32, #tpu.memory_space<vmem>>
        %dma_start3A_234 = tpu.memref_squeeze %dma_start3A_233 : memref<1x128xi32, #tpu.memory_space<vmem>> -> memref<128xi32, #tpu.memory_space<vmem>>
        %dma_start3A_235 = arith.constant 0 : i32
        %dma_start3A_236 = tpu.memref_slice %arg4[%dma_start3A_228, %dma_start3A_235] : memref<8x100000xf32, #tpu.memory_space<hbm>> -> memref<1x100000xf32, #tpu.memory_space<hbm>>
        %dma_start3A_237 = tpu.memref_squeeze %dma_start3A_236 : memref<1x100000xf32, #tpu.memory_space<hbm>> -> memref<100000xf32, #tpu.memory_space<hbm>>
        %dma_start3A_238 = arith.constant 0 : i32
        %dma_start3A_239 = tpu.memref_slice %dma_start3A_237[%dma_start3A_238] : memref<100000xf32, #tpu.memory_space<hbm>> -> memref<100000xf32, #tpu.memory_space<hbm>>
        tpu.enqueue_indirect_dma source(%dma_start3A_239 : memref<100000xf32, #tpu.memory_space<hbm>>) target(%dma_start3A_231 : memref<128xf32, #tpu.memory_space<vmem>>) offsets(%dma_start3A_234 : memref<128xi32, #tpu.memory_space<vmem>>) semaphore(%arg10 : memref<!tpu.dma_semaphore, #tpu.memory_space<semaphore_mem>>)
        %mul3A_240 = arith.constant 128 : i32
        %mul3A_241 = arith.muli %scan3A_183, %mul3A_240 : i32
        %dma_start3A_242 = arith.constant 4 : i32
        %dma_start3A_243 = arith.constant 4 : i32
        %dma_start3A_244 = tpu.memref_slice %arg9[%dma_start3A_243, %mul3A_241] : memref<8x1024xf32, #tpu.memory_space<vmem>> -> memref<1x128xf32, #tpu.memory_space<vmem>>
        %dma_start3A_245 = tpu.memref_squeeze %dma_start3A_244 : memref<1x128xf32, #tpu.memory_space<vmem>> -> memref<128xf32, #tpu.memory_space<vmem>>
        %dma_start3A_246 = arith.constant 0 : i32
        %dma_start3A_247 = tpu.memref_slice %arg7[%scan3A_183, %dma_start3A_246] : memref<8x128xi32, #tpu.memory_space<vmem>> -> memref<1x128xi32, #tpu.memory_space<vmem>>
        %dma_start3A_248 = tpu.memref_squeeze %dma_start3A_247 : memref<1x128xi32, #tpu.memory_space<vmem>> -> memref<128xi32, #tpu.memory_space<vmem>>
        %dma_start3A_249 = arith.constant 0 : i32
        %dma_start3A_250 = tpu.memref_slice %arg4[%dma_start3A_242, %dma_start3A_249] : memref<8x100000xf32, #tpu.memory_space<hbm>> -> memref<1x100000xf32, #tpu.memory_space<hbm>>
        %dma_start3A_251 = tpu.memref_squeeze %dma_start3A_250 : memref<1x100000xf32, #tpu.memory_space<hbm>> -> memref<100000xf32, #tpu.memory_space<hbm>>
        %dma_start3A_252 = arith.constant 0 : i32
        %dma_start3A_253 = tpu.memref_slice %dma_start3A_251[%dma_start3A_252] : memref<100000xf32, #tpu.memory_space<hbm>> -> memref<100000xf32, #tpu.memory_space<hbm>>
        tpu.enqueue_indirect_dma source(%dma_start3A_253 : memref<100000xf32, #tpu.memory_space<hbm>>) target(%dma_start3A_245 : memref<128xf32, #tpu.memory_space<vmem>>) offsets(%dma_start3A_248 : memref<128xi32, #tpu.memory_space<vmem>>) semaphore(%arg10 : memref<!tpu.dma_semaphore, #tpu.memory_space<semaphore_mem>>)
        %mul3A_254 = arith.constant 128 : i32
        %mul3A_255 = arith.muli %scan3A_183, %mul3A_254 : i32
        %dma_start3A_256 = arith.constant 5 : i32
        %dma_start3A_257 = arith.constant 5 : i32
        %dma_start3A_258 = tpu.memref_slice %arg9[%dma_start3A_257, %mul3A_255] : memref<8x1024xf32, #tpu.memory_space<vmem>> -> memref<1x128xf32, #tpu.memory_space<vmem>>
        %dma_start3A_259 = tpu.memref_squeeze %dma_start3A_258 : memref<1x128xf32, #tpu.memory_space<vmem>> -> memref<128xf32, #tpu.memory_space<vmem>>
        %dma_start3A_260 = arith.constant 0 : i32
        %dma_start3A_261 = tpu.memref_slice %arg7[%scan3A_183, %dma_start3A_260] : memref<8x128xi32, #tpu.memory_space<vmem>> -> memref<1x128xi32, #tpu.memory_space<vmem>>
        %dma_start3A_262 = tpu.memref_squeeze %dma_start3A_261 : memref<1x128xi32, #tpu.memory_space<vmem>> -> memref<128xi32, #tpu.memory_space<vmem>>
        %dma_start3A_263 = arith.constant 0 : i32
        %dma_start3A_264 = tpu.memref_slice %arg4[%dma_start3A_256, %dma_start3A_263] : memref<8x100000xf32, #tpu.memory_space<hbm>> -> memref<1x100000xf32, #tpu.memory_space<hbm>>
        %dma_start3A_265 = tpu.memref_squeeze %dma_start3A_264 : memref<1x100000xf32, #tpu.memory_space<hbm>> -> memref<100000xf32, #tpu.memory_space<hbm>>
        %dma_start3A_266 = arith.constant 0 : i32
        %dma_start3A_267 = tpu.memref_slice %dma_start3A_265[%dma_start3A_266] : memref<100000xf32, #tpu.memory_space<hbm>> -> memref<100000xf32, #tpu.memory_space<hbm>>
        tpu.enqueue_indirect_dma source(%dma_start3A_267 : memref<100000xf32, #tpu.memory_space<hbm>>) target(%dma_start3A_259 : memref<128xf32, #tpu.memory_space<vmem>>) offsets(%dma_start3A_262 : memref<128xi32, #tpu.memory_space<vmem>>) semaphore(%arg10 : memref<!tpu.dma_semaphore, #tpu.memory_space<semaphore_mem>>)
        %mul3A_268 = arith.constant 128 : i32
        %mul3A_269 = arith.muli %scan3A_183, %mul3A_268 : i32
        %dma_start3A_270 = arith.constant 6 : i32
        %dma_start3A_271 = arith.constant 6 : i32
        %dma_start3A_272 = tpu.memref_slice %arg9[%dma_start3A_271, %mul3A_269] : memref<8x1024xf32, #tpu.memory_space<vmem>> -> memref<1x128xf32, #tpu.memory_space<vmem>>
        %dma_start3A_273 = tpu.memref_squeeze %dma_start3A_272 : memref<1x128xf32, #tpu.memory_space<vmem>> -> memref<128xf32, #tpu.memory_space<vmem>>
        %dma_start3A_274 = arith.constant 0 : i32
        %dma_start3A_275 = tpu.memref_slice %arg7[%scan3A_183, %dma_start3A_274] : memref<8x128xi32, #tpu.memory_space<vmem>> -> memref<1x128xi32, #tpu.memory_space<vmem>>
        %dma_start3A_276 = tpu.memref_squeeze %dma_start3A_275 : memref<1x128xi32, #tpu.memory_space<vmem>> -> memref<128xi32, #tpu.memory_space<vmem>>
        %dma_start3A_277 = arith.constant 0 : i32
        %dma_start3A_278 = tpu.memref_slice %arg4[%dma_start3A_270, %dma_start3A_277] : memref<8x100000xf32, #tpu.memory_space<hbm>> -> memref<1x100000xf32, #tpu.memory_space<hbm>>
        %dma_start3A_279 = tpu.memref_squeeze %dma_start3A_278 : memref<1x100000xf32, #tpu.memory_space<hbm>> -> memref<100000xf32, #tpu.memory_space<hbm>>
        %dma_start3A_280 = arith.constant 0 : i32
        %dma_start3A_281 = tpu.memref_slice %dma_start3A_279[%dma_start3A_280] : memref<100000xf32, #tpu.memory_space<hbm>> -> memref<100000xf32, #tpu.memory_space<hbm>>
        tpu.enqueue_indirect_dma source(%dma_start3A_281 : memref<100000xf32, #tpu.memory_space<hbm>>) target(%dma_start3A_273 : memref<128xf32, #tpu.memory_space<vmem>>) offsets(%dma_start3A_276 : memref<128xi32, #tpu.memory_space<vmem>>) semaphore(%arg10 : memref<!tpu.dma_semaphore, #tpu.memory_space<semaphore_mem>>)
        %mul3A_282 = arith.constant 128 : i32
        %mul3A_283 = arith.muli %scan3A_183, %mul3A_282 : i32
        %dma_start3A_284 = arith.constant 7 : i32
        %dma_start3A_285 = arith.constant 7 : i32
        %dma_start3A_286 = tpu.memref_slice %arg9[%dma_start3A_285, %mul3A_283] : memref<8x1024xf32, #tpu.memory_space<vmem>> -> memref<1x128xf32, #tpu.memory_space<vmem>>
        %dma_start3A_287 = tpu.memref_squeeze %dma_start3A_286 : memref<1x128xf32, #tpu.memory_space<vmem>> -> memref<128xf32, #tpu.memory_space<vmem>>
        %dma_start3A_288 = arith.constant 0 : i32
        %dma_start3A_289 = tpu.memref_slice %arg7[%scan3A_183, %dma_start3A_288] : memref<8x128xi32, #tpu.memory_space<vmem>> -> memref<1x128xi32, #tpu.memory_space<vmem>>
        %dma_start3A_290 = tpu.memref_squeeze %dma_start3A_289 : memref<1x128xi32, #tpu.memory_space<vmem>> -> memref<128xi32, #tpu.memory_space<vmem>>
        %dma_start3A_291 = arith.constant 0 : i32
        %dma_start3A_292 = tpu.memref_slice %arg4[%dma_start3A_284, %dma_start3A_291] : memref<8x100000xf32, #tpu.memory_space<hbm>> -> memref<1x100000xf32, #tpu.memory_space<hbm>>
        %dma_start3A_293 = tpu.memref_squeeze %dma_start3A_292 : memref<1x100000xf32, #tpu.memory_space<hbm>> -> memref<100000xf32, #tpu.memory_space<hbm>>
        %dma_start3A_294 = arith.constant 0 : i32
        %dma_start3A_295 = tpu.memref_slice %dma_start3A_293[%dma_start3A_294] : memref<100000xf32, #tpu.memory_space<hbm>> -> memref<100000xf32, #tpu.memory_space<hbm>>
        tpu.enqueue_indirect_dma source(%dma_start3A_295 : memref<100000xf32, #tpu.memory_space<hbm>>) target(%dma_start3A_287 : memref<128xf32, #tpu.memory_space<vmem>>) offsets(%dma_start3A_290 : memref<128xi32, #tpu.memory_space<vmem>>) semaphore(%arg10 : memref<!tpu.dma_semaphore, #tpu.memory_space<semaphore_mem>>)
      }
      %scan3A_95 = arith.constant 8 : i32
      %dma_wait3A = arith.constant 0 : i32
      %dma_wait3A_96 = arith.constant 0 : i32
      %dma_wait3A_97 = arith.constant 0 : i32
      %dma_wait3A_98 = tpu.memref_slice %arg8[%dma_wait3A_96, %dma_wait3A_97] : memref<1024x32xf32, #tpu.memory_space<vmem>> -> memref<128x32xf32, #tpu.memory_space<vmem>>
      %dma_wait3A_99 = arith.constant 0 : i32
      %dma_wait3A_100 = tpu.memref_slice %arg7[%dma_wait3A, %dma_wait3A_99] : memref<8x128xi32, #tpu.memory_space<vmem>> -> memref<1x128xi32, #tpu.memory_space<vmem>>
      %dma_wait3A_101 = tpu.memref_squeeze %dma_wait3A_100 : memref<1x128xi32, #tpu.memory_space<vmem>> -> memref<128xi32, #tpu.memory_space<vmem>>
      %dma_wait3A_102 = arith.constant 0 : i32
      %dma_wait3A_103 = arith.constant 0 : i32
      %dma_wait3A_104 = tpu.memref_slice %arg3[%dma_wait3A_102, %dma_wait3A_103] : memref<100000x32xf32, #tpu.memory_space<hbm>> -> memref<100000x32xf32, #tpu.memory_space<hbm>>
      tpu.wait_indirect_dma semaphore(%arg10 : memref<!tpu.dma_semaphore, #tpu.memory_space<semaphore_mem>>) src(%dma_wait3A_104 : memref<100000x32xf32, #tpu.memory_space<hbm>>) dst(%dma_wait3A_98 : memref<128x32xf32, #tpu.memory_space<vmem>>)
      %dma_wait3A_105 = arith.constant 1 : i32
      %dma_wait3A_106 = arith.constant 128 : i32
      %dma_wait3A_107 = arith.constant 0 : i32
      %dma_wait3A_108 = tpu.memref_slice %arg8[%dma_wait3A_106, %dma_wait3A_107] : memref<1024x32xf32, #tpu.memory_space<vmem>> -> memref<128x32xf32, #tpu.memory_space<vmem>>
      %dma_wait3A_109 = arith.constant 0 : i32
      %dma_wait3A_110 = tpu.memref_slice %arg7[%dma_wait3A_105, %dma_wait3A_109] : memref<8x128xi32, #tpu.memory_space<vmem>> -> memref<1x128xi32, #tpu.memory_space<vmem>>
      %dma_wait3A_111 = tpu.memref_squeeze %dma_wait3A_110 : memref<1x128xi32, #tpu.memory_space<vmem>> -> memref<128xi32, #tpu.memory_space<vmem>>
      %dma_wait3A_112 = arith.constant 0 : i32
      %dma_wait3A_113 = arith.constant 0 : i32
      %dma_wait3A_114 = tpu.memref_slice %arg3[%dma_wait3A_112, %dma_wait3A_113] : memref<100000x32xf32, #tpu.memory_space<hbm>> -> memref<100000x32xf32, #tpu.memory_space<hbm>>
      tpu.wait_indirect_dma semaphore(%arg10 : memref<!tpu.dma_semaphore, #tpu.memory_space<semaphore_mem>>) src(%dma_wait3A_114 : memref<100000x32xf32, #tpu.memory_space<hbm>>) dst(%dma_wait3A_108 : memref<128x32xf32, #tpu.memory_space<vmem>>)
      %dma_wait3A_115 = arith.constant 2 : i32
      %dma_wait3A_116 = arith.constant 256 : i32
      %dma_wait3A_117 = arith.constant 0 : i32
      %dma_wait3A_118 = tpu.memref_slice %arg8[%dma_wait3A_116, %dma_wait3A_117] : memref<1024x32xf32, #tpu.memory_space<vmem>> -> memref<128x32xf32, #tpu.memory_space<vmem>>
      %dma_wait3A_119 = arith.constant 0 : i32
      %dma_wait3A_120 = tpu.memref_slice %arg7[%dma_wait3A_115, %dma_wait3A_119] : memref<8x128xi32, #tpu.memory_space<vmem>> -> memref<1x128xi32, #tpu.memory_space<vmem>>
      %dma_wait3A_121 = tpu.memref_squeeze %dma_wait3A_120 : memref<1x128xi32, #tpu.memory_space<vmem>> -> memref<128xi32, #tpu.memory_space<vmem>>
      %dma_wait3A_122 = arith.constant 0 : i32
      %dma_wait3A_123 = arith.constant 0 : i32
      %dma_wait3A_124 = tpu.memref_slice %arg3[%dma_wait3A_122, %dma_wait3A_123] : memref<100000x32xf32, #tpu.memory_space<hbm>> -> memref<100000x32xf32, #tpu.memory_space<hbm>>
      tpu.wait_indirect_dma semaphore(%arg10 : memref<!tpu.dma_semaphore, #tpu.memory_space<semaphore_mem>>) src(%dma_wait3A_124 : memref<100000x32xf32, #tpu.memory_space<hbm>>) dst(%dma_wait3A_118 : memref<128x32xf32, #tpu.memory_space<vmem>>)
      %dma_wait3A_125 = arith.constant 3 : i32
      %dma_wait3A_126 = arith.constant 384 : i32
      %dma_wait3A_127 = arith.constant 0 : i32
      %dma_wait3A_128 = tpu.memref_slice %arg8[%dma_wait3A_126, %dma_wait3A_127] : memref<1024x32xf32, #tpu.memory_space<vmem>> -> memref<128x32xf32, #tpu.memory_space<vmem>>
      %dma_wait3A_129 = arith.constant 0 : i32
      %dma_wait3A_130 = tpu.memref_slice %arg7[%dma_wait3A_125, %dma_wait3A_129] : memref<8x128xi32, #tpu.memory_space<vmem>> -> memref<1x128xi32, #tpu.memory_space<vmem>>
      %dma_wait3A_131 = tpu.memref_squeeze %dma_wait3A_130 : memref<1x128xi32, #tpu.memory_space<vmem>> -> memref<128xi32, #tpu.memory_space<vmem>>
      %dma_wait3A_132 = arith.constant 0 : i32
      %dma_wait3A_133 = arith.constant 0 : i32
      %dma_wait3A_134 = tpu.memref_slice %arg3[%dma_wait3A_132, %dma_wait3A_133] : memref<100000x32xf32, #tpu.memory_space<hbm>> -> memref<100000x32xf32, #tpu.memory_space<hbm>>
      tpu.wait_indirect_dma semaphore(%arg10 : memref<!tpu.dma_semaphore, #tpu.memory_space<semaphore_mem>>) src(%dma_wait3A_134 : memref<100000x32xf32, #tpu.memory_space<hbm>>) dst(%dma_wait3A_128 : memref<128x32xf32, #tpu.memory_space<vmem>>)
      %dma_wait3A_135 = arith.constant 4 : i32
      %dma_wait3A_136 = arith.constant 512 : i32
      %dma_wait3A_137 = arith.constant 0 : i32
      %dma_wait3A_138 = tpu.memref_slice %arg8[%dma_wait3A_136, %dma_wait3A_137] : memref<1024x32xf32, #tpu.memory_space<vmem>> -> memref<128x32xf32, #tpu.memory_space<vmem>>
      %dma_wait3A_139 = arith.constant 0 : i32
      %dma_wait3A_140 = tpu.memref_slice %arg7[%dma_wait3A_135, %dma_wait3A_139] : memref<8x128xi32, #tpu.memory_space<vmem>> -> memref<1x128xi32, #tpu.memory_space<vmem>>
      %dma_wait3A_141 = tpu.memref_squeeze %dma_wait3A_140 : memref<1x128xi32, #tpu.memory_space<vmem>> -> memref<128xi32, #tpu.memory_space<vmem>>
      %dma_wait3A_142 = arith.constant 0 : i32
      %dma_wait3A_143 = arith.constant 0 : i32
      %dma_wait3A_144 = tpu.memref_slice %arg3[%dma_wait3A_142, %dma_wait3A_143] : memref<100000x32xf32, #tpu.memory_space<hbm>> -> memref<100000x32xf32, #tpu.memory_space<hbm>>
      tpu.wait_indirect_dma semaphore(%arg10 : memref<!tpu.dma_semaphore, #tpu.memory_space<semaphore_mem>>) src(%dma_wait3A_144 : memref<100000x32xf32, #tpu.memory_space<hbm>>) dst(%dma_wait3A_138 : memref<128x32xf32, #tpu.memory_space<vmem>>)
      %dma_wait3A_145 = arith.constant 5 : i32
      %dma_wait3A_146 = arith.constant 640 : i32
      %dma_wait3A_147 = arith.constant 0 : i32
      %dma_wait3A_148 = tpu.memref_slice %arg8[%dma_wait3A_146, %dma_wait3A_147] : memref<1024x32xf32, #tpu.memory_space<vmem>> -> memref<128x32xf32, #tpu.memory_space<vmem>>
      %dma_wait3A_149 = arith.constant 0 : i32
      %dma_wait3A_150 = tpu.memref_slice %arg7[%dma_wait3A_145, %dma_wait3A_149] : memref<8x128xi32, #tpu.memory_space<vmem>> -> memref<1x128xi32, #tpu.memory_space<vmem>>
      %dma_wait3A_151 = tpu.memref_squeeze %dma_wait3A_150 : memref<1x128xi32, #tpu.memory_space<vmem>> -> memref<128xi32, #tpu.memory_space<vmem>>
      %dma_wait3A_152 = arith.constant 0 : i32
      %dma_wait3A_153 = arith.constant 0 : i32
      %dma_wait3A_154 = tpu.memref_slice %arg3[%dma_wait3A_152, %dma_wait3A_153] : memref<100000x32xf32, #tpu.memory_space<hbm>> -> memref<100000x32xf32, #tpu.memory_space<hbm>>
      tpu.wait_indirect_dma semaphore(%arg10 : memref<!tpu.dma_semaphore, #tpu.memory_space<semaphore_mem>>) src(%dma_wait3A_154 : memref<100000x32xf32, #tpu.memory_space<hbm>>) dst(%dma_wait3A_148 : memref<128x32xf32, #tpu.memory_space<vmem>>)
      %dma_wait3A_155 = arith.constant 6 : i32
      %dma_wait3A_156 = arith.constant 768 : i32
      %dma_wait3A_157 = arith.constant 0 : i32
      %dma_wait3A_158 = tpu.memref_slice %arg8[%dma_wait3A_156, %dma_wait3A_157] : memref<1024x32xf32, #tpu.memory_space<vmem>> -> memref<128x32xf32, #tpu.memory_space<vmem>>
      %dma_wait3A_159 = arith.constant 0 : i32
      %dma_wait3A_160 = tpu.memref_slice %arg7[%dma_wait3A_155, %dma_wait3A_159] : memref<8x128xi32, #tpu.memory_space<vmem>> -> memref<1x128xi32, #tpu.memory_space<vmem>>
      %dma_wait3A_161 = tpu.memref_squeeze %dma_wait3A_160 : memref<1x128xi32, #tpu.memory_space<vmem>> -> memref<128xi32, #tpu.memory_space<vmem>>
      %dma_wait3A_162 = arith.constant 0 : i32
      %dma_wait3A_163 = arith.constant 0 : i32
      %dma_wait3A_164 = tpu.memref_slice %arg3[%dma_wait3A_162, %dma_wait3A_163] : memref<100000x32xf32, #tpu.memory_space<hbm>> -> memref<100000x32xf32, #tpu.memory_space<hbm>>
      tpu.wait_indirect_dma semaphore(%arg10 : memref<!tpu.dma_semaphore, #tpu.memory_space<semaphore_mem>>) src(%dma_wait3A_164 : memref<100000x32xf32, #tpu.memory_space<hbm>>) dst(%dma_wait3A_158 : memref<128x32xf32, #tpu.memory_space<vmem>>)
      %dma_wait3A_165 = arith.constant 7 : i32
      %dma_wait3A_166 = arith.constant 896 : i32
      %dma_wait3A_167 = arith.constant 0 : i32
      %dma_wait3A_168 = tpu.memref_slice %arg8[%dma_wait3A_166, %dma_wait3A_167] : memref<1024x32xf32, #tpu.memory_space<vmem>> -> memref<128x32xf32, #tpu.memory_space<vmem>>
      %dma_wait3A_169 = arith.constant 0 : i32
      %dma_wait3A_170 = tpu.memref_slice %arg7[%dma_wait3A_165, %dma_wait3A_169] : memref<8x128xi32, #tpu.memory_space<vmem>> -> memref<1x128xi32, #tpu.memory_space<vmem>>
      %dma_wait3A_171 = tpu.memref_squeeze %dma_wait3A_170 : memref<1x128xi32, #tpu.memory_space<vmem>> -> memref<128xi32, #tpu.memory_space<vmem>>
      %dma_wait3A_172 = arith.constant 0 : i32
      %dma_wait3A_173 = arith.constant 0 : i32
      %dma_wait3A_174 = tpu.memref_slice %arg3[%dma_wait3A_172, %dma_wait3A_173] : memref<100000x32xf32, #tpu.memory_space<hbm>> -> memref<100000x32xf32, #tpu.memory_space<hbm>>
      tpu.wait_indirect_dma semaphore(%arg10 : memref<!tpu.dma_semaphore, #tpu.memory_space<semaphore_mem>>) src(%dma_wait3A_174 : memref<100000x32xf32, #tpu.memory_space<hbm>>) dst(%dma_wait3A_168 : memref<128x32xf32, #tpu.memory_space<vmem>>)
      %dma_wait3A_175 = arith.constant 0 : i32
      %dma_wait3A_176 = arith.constant 0 : i32
      %dma_wait3A_177 = tpu.memref_slice %arg4[%dma_wait3A_175, %dma_wait3A_176] : memref<8x100000xf32, #tpu.memory_space<hbm>> -> memref<8x1024xf32, #tpu.memory_space<hbm>>
      %dma_wait3A_178 = arith.constant 0 : i32
      %dma_wait3A_179 = arith.constant 0 : i32
      %dma_wait3A_180 = tpu.memref_slice %arg4[%dma_wait3A_178, %dma_wait3A_179] : memref<8x100000xf32, #tpu.memory_space<hbm>> -> memref<8x1024xf32, #tpu.memory_space<hbm>>
      tpu.wait_dma2 semaphore(%arg10 : memref<!tpu.dma_semaphore, #tpu.memory_space<semaphore_mem>>) src(%dma_wait3A_180 : memref<8x1024xf32, #tpu.memory_space<hbm>>) dst(%arg9 : memref<8x1024xf32, #tpu.memory_space<vmem>>)
      %mul3A_181 = arith.constant 1024 : i32
      %mul3A_182 = arith.muli %add3A_2, %mul3A_181 : i32
      "tpu.region"() ({
        %run_scoped3A = tpu.sem_alloc : memref<!tpu.dma_semaphore, #tpu.memory_space<semaphore_mem>>
        %dma_start3A_183 = arith.constant 0 : i32
        %dma_start3A_184 = tpu.memref_slice %arg5[%mul3A_182, %dma_start3A_183] : memref<51200x32xf32, #tpu.memory_space<hbm>> -> memref<1024x32xf32, #tpu.memory_space<hbm>>
        %dma_start3A_185 = arith.constant 0 : i32
        %dma_start3A_186 = tpu.memref_slice %arg5[%mul3A_182, %dma_start3A_185] : memref<51200x32xf32, #tpu.memory_space<hbm>> -> memref<1024x32xf32, #tpu.memory_space<hbm>>
        tpu.enqueue_dma source(%arg8 : memref<1024x32xf32, #tpu.memory_space<vmem>>) target(%dma_start3A_186 : memref<1024x32xf32, #tpu.memory_space<hbm>>) target_semaphore(%run_scoped3A : memref<!tpu.dma_semaphore, #tpu.memory_space<semaphore_mem>>)
        %dma_wait3A_187 = arith.constant 0 : i32
        %dma_wait3A_188 = tpu.memref_slice %arg5[%mul3A_182, %dma_wait3A_187] : memref<51200x32xf32, #tpu.memory_space<hbm>> -> memref<1024x32xf32, #tpu.memory_space<hbm>>
        %dma_wait3A_189 = arith.constant 0 : i32
        %dma_wait3A_190 = tpu.memref_slice %arg5[%mul3A_182, %dma_wait3A_189] : memref<51200x32xf32, #tpu.memory_space<hbm>> -> memref<1024x32xf32, #tpu.memory_space<hbm>>
        tpu.wait_dma2 semaphore(%run_scoped3A : memref<!tpu.dma_semaphore, #tpu.memory_space<semaphore_mem>>) src(%arg8 : memref<1024x32xf32, #tpu.memory_space<vmem>>) dst(%dma_wait3A_190 : memref<1024x32xf32, #tpu.memory_space<hbm>>)
        tpu.yield
      }) : () -> ()
      "tpu.region"() ({
        %run_scoped3A = tpu.sem_alloc : memref<!tpu.dma_semaphore, #tpu.memory_space<semaphore_mem>>
        %dma_start3A_183 = arith.constant 0 : i32
        %dma_start3A_184 = arith.constant 0 : i32
        %dma_start3A_185 = tpu.memref_slice %arg6[%add3A_2, %dma_start3A_183, %dma_start3A_184] : memref<50x8x1024xf32, #tpu.memory_space<hbm>> -> memref<1x8x1024xf32, #tpu.memory_space<hbm>>
        %dma_start3A_186 = tpu.memref_squeeze %dma_start3A_185 : memref<1x8x1024xf32, #tpu.memory_space<hbm>> -> memref<8x1024xf32, #tpu.memory_space<hbm>>
        %dma_start3A_187 = arith.constant 0 : i32
        %dma_start3A_188 = arith.constant 0 : i32
        %dma_start3A_189 = tpu.memref_slice %arg6[%add3A_2, %dma_start3A_187, %dma_start3A_188] : memref<50x8x1024xf32, #tpu.memory_space<hbm>> -> memref<1x8x1024xf32, #tpu.memory_space<hbm>>
        %dma_start3A_190 = tpu.memref_squeeze %dma_start3A_189 : memref<1x8x1024xf32, #tpu.memory_space<hbm>> -> memref<8x1024xf32, #tpu.memory_space<hbm>>
        tpu.enqueue_dma source(%arg9 : memref<8x1024xf32, #tpu.memory_space<vmem>>) target(%dma_start3A_190 : memref<8x1024xf32, #tpu.memory_space<hbm>>) target_semaphore(%run_scoped3A : memref<!tpu.dma_semaphore, #tpu.memory_space<semaphore_mem>>)
        %dma_wait3A_191 = arith.constant 0 : i32
        %dma_wait3A_192 = arith.constant 0 : i32
        %dma_wait3A_193 = tpu.memref_slice %arg6[%add3A_2, %dma_wait3A_191, %dma_wait3A_192] : memref<50x8x1024xf32, #tpu.memory_space<hbm>> -> memref<1x8x1024xf32, #tpu.memory_space<hbm>>
        %dma_wait3A_194 = tpu.memref_squeeze %dma_wait3A_193 : memref<1x8x1024xf32, #tpu.memory_space<hbm>> -> memref<8x1024xf32, #tpu.memory_space<hbm>>
        %dma_wait3A_195 = arith.constant 0 : i32
        %dma_wait3A_196 = arith.constant 0 : i32
        %dma_wait3A_197 = tpu.memref_slice %arg6[%add3A_2, %dma_wait3A_195, %dma_wait3A_196] : memref<50x8x1024xf32, #tpu.memory_space<hbm>> -> memref<1x8x1024xf32, #tpu.memory_space<hbm>>
        %dma_wait3A_198 = tpu.memref_squeeze %dma_wait3A_197 : memref<1x8x1024xf32, #tpu.memory_space<hbm>> -> memref<8x1024xf32, #tpu.memory_space<hbm>>
        tpu.wait_dma2 semaphore(%run_scoped3A : memref<!tpu.dma_semaphore, #tpu.memory_space<semaphore_mem>>) src(%arg9 : memref<8x1024xf32, #tpu.memory_space<vmem>>) dst(%dma_wait3A_198 : memref<8x1024xf32, #tpu.memory_space<hbm>>)
        tpu.yield
      }) : () -> ()
    } else {
    }
    %add3A_5 = arith.constant 32 : i32
    %add3A_6 = arith.addi %add3A, %add3A_5 : i32
    %lt3A_7 = arith.constant 50 : i32
    %lt3A_8 = arith.cmpi slt, %add3A_6, %lt3A_7 : i32
    %convert_element_type3A_9 = arith.extui %lt3A_8 : i1 to i32
    %cond3A_10 = arith.constant 0 : i32
    %cond3A_11 = arith.cmpi ne, %convert_element_type3A_9, %cond3A_10 : i32
    scf.if %cond3A_11 {
      "tpu.region"() ({
        %run_scoped3A = tpu.sem_alloc : memref<!tpu.dma_semaphore, #tpu.memory_space<semaphore_mem>>
        %dma_start3A_183 = arith.constant 0 : i32
        %dma_start3A_184 = arith.constant 0 : i32
        %dma_start3A_185 = tpu.memref_slice %arg2[%add3A_6, %dma_start3A_183, %dma_start3A_184] : memref<50x8x128xi32, #tpu.memory_space<hbm>> -> memref<1x8x128xi32, #tpu.memory_space<hbm>>
        %dma_start3A_186 = tpu.memref_squeeze %dma_start3A_185 : memref<1x8x128xi32, #tpu.memory_space<hbm>> -> memref<8x128xi32, #tpu.memory_space<hbm>>
        %dma_start3A_187 = arith.constant 0 : i32
        %dma_start3A_188 = arith.constant 0 : i32
        %dma_start3A_189 = tpu.memref_slice %arg2[%add3A_6, %dma_start3A_187, %dma_start3A_188] : memref<50x8x128xi32, #tpu.memory_space<hbm>> -> memref<1x8x128xi32, #tpu.memory_space<hbm>>
        %dma_start3A_190 = tpu.memref_squeeze %dma_start3A_189 : memref<1x8x128xi32, #tpu.memory_space<hbm>> -> memref<8x128xi32, #tpu.memory_space<hbm>>
        tpu.enqueue_dma source(%dma_start3A_190 : memref<8x128xi32, #tpu.memory_space<hbm>>) target(%arg7 : memref<8x128xi32, #tpu.memory_space<vmem>>) target_semaphore(%run_scoped3A : memref<!tpu.dma_semaphore, #tpu.memory_space<semaphore_mem>>)
        %dma_wait3A_191 = arith.constant 0 : i32
        %dma_wait3A_192 = arith.constant 0 : i32
        %dma_wait3A_193 = tpu.memref_slice %arg2[%add3A_6, %dma_wait3A_191, %dma_wait3A_192] : memref<50x8x128xi32, #tpu.memory_space<hbm>> -> memref<1x8x128xi32, #tpu.memory_space<hbm>>
        %dma_wait3A_194 = tpu.memref_squeeze %dma_wait3A_193 : memref<1x8x128xi32, #tpu.memory_space<hbm>> -> memref<8x128xi32, #tpu.memory_space<hbm>>
        %dma_wait3A_195 = arith.constant 0 : i32
        %dma_wait3A_196 = arith.constant 0 : i32
        %dma_wait3A_197 = tpu.memref_slice %arg2[%add3A_6, %dma_wait3A_195, %dma_wait3A_196] : memref<50x8x128xi32, #tpu.memory_space<hbm>> -> memref<1x8x128xi32, #tpu.memory_space<hbm>>
        %dma_wait3A_198 = tpu.memref_squeeze %dma_wait3A_197 : memref<1x8x128xi32, #tpu.memory_space<hbm>> -> memref<8x128xi32, #tpu.memory_space<hbm>>
        tpu.wait_dma2 semaphore(%run_scoped3A : memref<!tpu.dma_semaphore, #tpu.memory_space<semaphore_mem>>) src(%dma_wait3A_198 : memref<8x128xi32, #tpu.memory_space<hbm>>) dst(%arg7 : memref<8x128xi32, #tpu.memory_space<vmem>>)
        tpu.yield
      }) : () -> ()
      %dma_start3A = arith.constant 0 : i32
      %dma_start3A_12 = arith.constant 0 : i32
      %dma_start3A_13 = arith.constant 0 : i32
      %dma_start3A_14 = tpu.memref_slice %arg8[%dma_start3A_12, %dma_start3A_13] : memref<1024x32xf32, #tpu.memory_space<vmem>> -> memref<128x32xf32, #tpu.memory_space<vmem>>
      %dma_start3A_15 = arith.constant 0 : i32
      %dma_start3A_16 = tpu.memref_slice %arg7[%dma_start3A, %dma_start3A_15] : memref<8x128xi32, #tpu.memory_space<vmem>> -> memref<1x128xi32, #tpu.memory_space<vmem>>
      %dma_start3A_17 = tpu.memref_squeeze %dma_start3A_16 : memref<1x128xi32, #tpu.memory_space<vmem>> -> memref<128xi32, #tpu.memory_space<vmem>>
      %dma_start3A_18 = arith.constant 0 : i32
      %dma_start3A_19 = arith.constant 0 : i32
      %dma_start3A_20 = tpu.memref_slice %arg3[%dma_start3A_18, %dma_start3A_19] : memref<100000x32xf32, #tpu.memory_space<hbm>> -> memref<100000x32xf32, #tpu.memory_space<hbm>>
      tpu.enqueue_indirect_dma source(%dma_start3A_20 : memref<100000x32xf32, #tpu.memory_space<hbm>>) target(%dma_start3A_14 : memref<128x32xf32, #tpu.memory_space<vmem>>) offsets(%dma_start3A_17 : memref<128xi32, #tpu.memory_space<vmem>>) semaphore(%arg10 : memref<!tpu.dma_semaphore, #tpu.memory_space<semaphore_mem>>)
      %dma_start3A_21 = arith.constant 1 : i32
      %dma_start3A_22 = arith.constant 128 : i32
      %dma_start3A_23 = arith.constant 0 : i32
      %dma_start3A_24 = tpu.memref_slice %arg8[%dma_start3A_22, %dma_start3A_23] : memref<1024x32xf32, #tpu.memory_space<vmem>> -> memref<128x32xf32, #tpu.memory_space<vmem>>
      %dma_start3A_25 = arith.constant 0 : i32
      %dma_start3A_26 = tpu.memref_slice %arg7[%dma_start3A_21, %dma_start3A_25] : memref<8x128xi32, #tpu.memory_space<vmem>> -> memref<1x128xi32, #tpu.memory_space<vmem>>
      %dma_start3A_27 = tpu.memref_squeeze %dma_start3A_26 : memref<1x128xi32, #tpu.memory_space<vmem>> -> memref<128xi32, #tpu.memory_space<vmem>>
      %dma_start3A_28 = arith.constant 0 : i32
      %dma_start3A_29 = arith.constant 0 : i32
      %dma_start3A_30 = tpu.memref_slice %arg3[%dma_start3A_28, %dma_start3A_29] : memref<100000x32xf32, #tpu.memory_space<hbm>> -> memref<100000x32xf32, #tpu.memory_space<hbm>>
      tpu.enqueue_indirect_dma source(%dma_start3A_30 : memref<100000x32xf32, #tpu.memory_space<hbm>>) target(%dma_start3A_24 : memref<128x32xf32, #tpu.memory_space<vmem>>) offsets(%dma_start3A_27 : memref<128xi32, #tpu.memory_space<vmem>>) semaphore(%arg10 : memref<!tpu.dma_semaphore, #tpu.memory_space<semaphore_mem>>)
      %dma_start3A_31 = arith.constant 2 : i32
      %dma_start3A_32 = arith.constant 256 : i32
      %dma_start3A_33 = arith.constant 0 : i32
      %dma_start3A_34 = tpu.memref_slice %arg8[%dma_start3A_32, %dma_start3A_33] : memref<1024x32xf32, #tpu.memory_space<vmem>> -> memref<128x32xf32, #tpu.memory_space<vmem>>
      %dma_start3A_35 = arith.constant 0 : i32
      %dma_start3A_36 = tpu.memref_slice %arg7[%dma_start3A_31, %dma_start3A_35] : memref<8x128xi32, #tpu.memory_space<vmem>> -> memref<1x128xi32, #tpu.memory_space<vmem>>
      %dma_start3A_37 = tpu.memref_squeeze %dma_start3A_36 : memref<1x128xi32, #tpu.memory_space<vmem>> -> memref<128xi32, #tpu.memory_space<vmem>>
      %dma_start3A_38 = arith.constant 0 : i32
      %dma_start3A_39 = arith.constant 0 : i32
      %dma_start3A_40 = tpu.memref_slice %arg3[%dma_start3A_38, %dma_start3A_39] : memref<100000x32xf32, #tpu.memory_space<hbm>> -> memref<100000x32xf32, #tpu.memory_space<hbm>>
      tpu.enqueue_indirect_dma source(%dma_start3A_40 : memref<100000x32xf32, #tpu.memory_space<hbm>>) target(%dma_start3A_34 : memref<128x32xf32, #tpu.memory_space<vmem>>) offsets(%dma_start3A_37 : memref<128xi32, #tpu.memory_space<vmem>>) semaphore(%arg10 : memref<!tpu.dma_semaphore, #tpu.memory_space<semaphore_mem>>)
      %dma_start3A_41 = arith.constant 3 : i32
      %dma_start3A_42 = arith.constant 384 : i32
      %dma_start3A_43 = arith.constant 0 : i32
      %dma_start3A_44 = tpu.memref_slice %arg8[%dma_start3A_42, %dma_start3A_43] : memref<1024x32xf32, #tpu.memory_space<vmem>> -> memref<128x32xf32, #tpu.memory_space<vmem>>
      %dma_start3A_45 = arith.constant 0 : i32
      %dma_start3A_46 = tpu.memref_slice %arg7[%dma_start3A_41, %dma_start3A_45] : memref<8x128xi32, #tpu.memory_space<vmem>> -> memref<1x128xi32, #tpu.memory_space<vmem>>
      %dma_start3A_47 = tpu.memref_squeeze %dma_start3A_46 : memref<1x128xi32, #tpu.memory_space<vmem>> -> memref<128xi32, #tpu.memory_space<vmem>>
      %dma_start3A_48 = arith.constant 0 : i32
      %dma_start3A_49 = arith.constant 0 : i32
      %dma_start3A_50 = tpu.memref_slice %arg3[%dma_start3A_48, %dma_start3A_49] : memref<100000x32xf32, #tpu.memory_space<hbm>> -> memref<100000x32xf32, #tpu.memory_space<hbm>>
      tpu.enqueue_indirect_dma source(%dma_start3A_50 : memref<100000x32xf32, #tpu.memory_space<hbm>>) target(%dma_start3A_44 : memref<128x32xf32, #tpu.memory_space<vmem>>) offsets(%dma_start3A_47 : memref<128xi32, #tpu.memory_space<vmem>>) semaphore(%arg10 : memref<!tpu.dma_semaphore, #tpu.memory_space<semaphore_mem>>)
      %dma_start3A_51 = arith.constant 4 : i32
      %dma_start3A_52 = arith.constant 512 : i32
      %dma_start3A_53 = arith.constant 0 : i32
      %dma_start3A_54 = tpu.memref_slice %arg8[%dma_start3A_52, %dma_start3A_53] : memref<1024x32xf32, #tpu.memory_space<vmem>> -> memref<128x32xf32, #tpu.memory_space<vmem>>
      %dma_start3A_55 = arith.constant 0 : i32
      %dma_start3A_56 = tpu.memref_slice %arg7[%dma_start3A_51, %dma_start3A_55] : memref<8x128xi32, #tpu.memory_space<vmem>> -> memref<1x128xi32, #tpu.memory_space<vmem>>
      %dma_start3A_57 = tpu.memref_squeeze %dma_start3A_56 : memref<1x128xi32, #tpu.memory_space<vmem>> -> memref<128xi32, #tpu.memory_space<vmem>>
      %dma_start3A_58 = arith.constant 0 : i32
      %dma_start3A_59 = arith.constant 0 : i32
      %dma_start3A_60 = tpu.memref_slice %arg3[%dma_start3A_58, %dma_start3A_59] : memref<100000x32xf32, #tpu.memory_space<hbm>> -> memref<100000x32xf32, #tpu.memory_space<hbm>>
      tpu.enqueue_indirect_dma source(%dma_start3A_60 : memref<100000x32xf32, #tpu.memory_space<hbm>>) target(%dma_start3A_54 : memref<128x32xf32, #tpu.memory_space<vmem>>) offsets(%dma_start3A_57 : memref<128xi32, #tpu.memory_space<vmem>>) semaphore(%arg10 : memref<!tpu.dma_semaphore, #tpu.memory_space<semaphore_mem>>)
      %dma_start3A_61 = arith.constant 5 : i32
      %dma_start3A_62 = arith.constant 640 : i32
      %dma_start3A_63 = arith.constant 0 : i32
      %dma_start3A_64 = tpu.memref_slice %arg8[%dma_start3A_62, %dma_start3A_63] : memref<1024x32xf32, #tpu.memory_space<vmem>> -> memref<128x32xf32, #tpu.memory_space<vmem>>
      %dma_start3A_65 = arith.constant 0 : i32
      %dma_start3A_66 = tpu.memref_slice %arg7[%dma_start3A_61, %dma_start3A_65] : memref<8x128xi32, #tpu.memory_space<vmem>> -> memref<1x128xi32, #tpu.memory_space<vmem>>
      %dma_start3A_67 = tpu.memref_squeeze %dma_start3A_66 : memref<1x128xi32, #tpu.memory_space<vmem>> -> memref<128xi32, #tpu.memory_space<vmem>>
      %dma_start3A_68 = arith.constant 0 : i32
      %dma_start3A_69 = arith.constant 0 : i32
      %dma_start3A_70 = tpu.memref_slice %arg3[%dma_start3A_68, %dma_start3A_69] : memref<100000x32xf32, #tpu.memory_space<hbm>> -> memref<100000x32xf32, #tpu.memory_space<hbm>>
      tpu.enqueue_indirect_dma source(%dma_start3A_70 : memref<100000x32xf32, #tpu.memory_space<hbm>>) target(%dma_start3A_64 : memref<128x32xf32, #tpu.memory_space<vmem>>) offsets(%dma_start3A_67 : memref<128xi32, #tpu.memory_space<vmem>>) semaphore(%arg10 : memref<!tpu.dma_semaphore, #tpu.memory_space<semaphore_mem>>)
      %dma_start3A_71 = arith.constant 6 : i32
      %dma_start3A_72 = arith.constant 768 : i32
      %dma_start3A_73 = arith.constant 0 : i32
      %dma_start3A_74 = tpu.memref_slice %arg8[%dma_start3A_72, %dma_start3A_73] : memref<1024x32xf32, #tpu.memory_space<vmem>> -> memref<128x32xf32, #tpu.memory_space<vmem>>
      %dma_start3A_75 = arith.constant 0 : i32
      %dma_start3A_76 = tpu.memref_slice %arg7[%dma_start3A_71, %dma_start3A_75] : memref<8x128xi32, #tpu.memory_space<vmem>> -> memref<1x128xi32, #tpu.memory_space<vmem>>
      %dma_start3A_77 = tpu.memref_squeeze %dma_start3A_76 : memref<1x128xi32, #tpu.memory_space<vmem>> -> memref<128xi32, #tpu.memory_space<vmem>>
      %dma_start3A_78 = arith.constant 0 : i32
      %dma_start3A_79 = arith.constant 0 : i32
      %dma_start3A_80 = tpu.memref_slice %arg3[%dma_start3A_78, %dma_start3A_79] : memref<100000x32xf32, #tpu.memory_space<hbm>> -> memref<100000x32xf32, #tpu.memory_space<hbm>>
      tpu.enqueue_indirect_dma source(%dma_start3A_80 : memref<100000x32xf32, #tpu.memory_space<hbm>>) target(%dma_start3A_74 : memref<128x32xf32, #tpu.memory_space<vmem>>) offsets(%dma_start3A_77 : memref<128xi32, #tpu.memory_space<vmem>>) semaphore(%arg10 : memref<!tpu.dma_semaphore, #tpu.memory_space<semaphore_mem>>)
      %dma_start3A_81 = arith.constant 7 : i32
      %dma_start3A_82 = arith.constant 896 : i32
      %dma_start3A_83 = arith.constant 0 : i32
      %dma_start3A_84 = tpu.memref_slice %arg8[%dma_start3A_82, %dma_start3A_83] : memref<1024x32xf32, #tpu.memory_space<vmem>> -> memref<128x32xf32, #tpu.memory_space<vmem>>
      %dma_start3A_85 = arith.constant 0 : i32
      %dma_start3A_86 = tpu.memref_slice %arg7[%dma_start3A_81, %dma_start3A_85] : memref<8x128xi32, #tpu.memory_space<vmem>> -> memref<1x128xi32, #tpu.memory_space<vmem>>
      %dma_start3A_87 = tpu.memref_squeeze %dma_start3A_86 : memref<1x128xi32, #tpu.memory_space<vmem>> -> memref<128xi32, #tpu.memory_space<vmem>>
      %dma_start3A_88 = arith.constant 0 : i32
      %dma_start3A_89 = arith.constant 0 : i32
      %dma_start3A_90 = tpu.memref_slice %arg3[%dma_start3A_88, %dma_start3A_89] : memref<100000x32xf32, #tpu.memory_space<hbm>> -> memref<100000x32xf32, #tpu.memory_space<hbm>>
      tpu.enqueue_indirect_dma source(%dma_start3A_90 : memref<100000x32xf32, #tpu.memory_space<hbm>>) target(%dma_start3A_84 : memref<128x32xf32, #tpu.memory_space<vmem>>) offsets(%dma_start3A_87 : memref<128xi32, #tpu.memory_space<vmem>>) semaphore(%arg10 : memref<!tpu.dma_semaphore, #tpu.memory_space<semaphore_mem>>)
      %scan3A = arith.constant 0 : i32
      %scan3A_91 = arith.constant 0 : i32
      %scan3A_92 = arith.constant 8 : i32
      %scan3A_93 = arith.addi %scan3A_91, %scan3A_92 : i32
      %scan3A_94 = arith.constant 1 : i32
      scf.for %scan3A_183 = %scan3A_91 to %scan3A_93 step %scan3A_94  : i32 {
        %mul3A_184 = arith.constant 128 : i32
        %mul3A_185 = arith.muli %scan3A_183, %mul3A_184 : i32
        %dma_start3A_186 = arith.constant 0 : i32
        %dma_start3A_187 = arith.constant 0 : i32
        %dma_start3A_188 = tpu.memref_slice %arg9[%dma_start3A_187, %mul3A_185] : memref<8x1024xf32, #tpu.memory_space<vmem>> -> memref<1x128xf32, #tpu.memory_space<vmem>>
        %dma_start3A_189 = tpu.memref_squeeze %dma_start3A_188 : memref<1x128xf32, #tpu.memory_space<vmem>> -> memref<128xf32, #tpu.memory_space<vmem>>
        %dma_start3A_190 = arith.constant 0 : i32
        %dma_start3A_191 = tpu.memref_slice %arg7[%scan3A_183, %dma_start3A_190] : memref<8x128xi32, #tpu.memory_space<vmem>> -> memref<1x128xi32, #tpu.memory_space<vmem>>
        %dma_start3A_192 = tpu.memref_squeeze %dma_start3A_191 : memref<1x128xi32, #tpu.memory_space<vmem>> -> memref<128xi32, #tpu.memory_space<vmem>>
        %dma_start3A_193 = arith.constant 0 : i32
        %dma_start3A_194 = tpu.memref_slice %arg4[%dma_start3A_186, %dma_start3A_193] : memref<8x100000xf32, #tpu.memory_space<hbm>> -> memref<1x100000xf32, #tpu.memory_space<hbm>>
        %dma_start3A_195 = tpu.memref_squeeze %dma_start3A_194 : memref<1x100000xf32, #tpu.memory_space<hbm>> -> memref<100000xf32, #tpu.memory_space<hbm>>
        %dma_start3A_196 = arith.constant 0 : i32
        %dma_start3A_197 = tpu.memref_slice %dma_start3A_195[%dma_start3A_196] : memref<100000xf32, #tpu.memory_space<hbm>> -> memref<100000xf32, #tpu.memory_space<hbm>>
        tpu.enqueue_indirect_dma source(%dma_start3A_197 : memref<100000xf32, #tpu.memory_space<hbm>>) target(%dma_start3A_189 : memref<128xf32, #tpu.memory_space<vmem>>) offsets(%dma_start3A_192 : memref<128xi32, #tpu.memory_space<vmem>>) semaphore(%arg10 : memref<!tpu.dma_semaphore, #tpu.memory_space<semaphore_mem>>)
        %mul3A_198 = arith.constant 128 : i32
        %mul3A_199 = arith.muli %scan3A_183, %mul3A_198 : i32
        %dma_start3A_200 = arith.constant 1 : i32
        %dma_start3A_201 = arith.constant 1 : i32
        %dma_start3A_202 = tpu.memref_slice %arg9[%dma_start3A_201, %mul3A_199] : memref<8x1024xf32, #tpu.memory_space<vmem>> -> memref<1x128xf32, #tpu.memory_space<vmem>>
        %dma_start3A_203 = tpu.memref_squeeze %dma_start3A_202 : memref<1x128xf32, #tpu.memory_space<vmem>> -> memref<128xf32, #tpu.memory_space<vmem>>
        %dma_start3A_204 = arith.constant 0 : i32
        %dma_start3A_205 = tpu.memref_slice %arg7[%scan3A_183, %dma_start3A_204] : memref<8x128xi32, #tpu.memory_space<vmem>> -> memref<1x128xi32, #tpu.memory_space<vmem>>
        %dma_start3A_206 = tpu.memref_squeeze %dma_start3A_205 : memref<1x128xi32, #tpu.memory_space<vmem>> -> memref<128xi32, #tpu.memory_space<vmem>>
        %dma_start3A_207 = arith.constant 0 : i32
        %dma_start3A_208 = tpu.memref_slice %arg4[%dma_start3A_200, %dma_start3A_207] : memref<8x100000xf32, #tpu.memory_space<hbm>> -> memref<1x100000xf32, #tpu.memory_space<hbm>>
        %dma_start3A_209 = tpu.memref_squeeze %dma_start3A_208 : memref<1x100000xf32, #tpu.memory_space<hbm>> -> memref<100000xf32, #tpu.memory_space<hbm>>
        %dma_start3A_210 = arith.constant 0 : i32
        %dma_start3A_211 = tpu.memref_slice %dma_start3A_209[%dma_start3A_210] : memref<100000xf32, #tpu.memory_space<hbm>> -> memref<100000xf32, #tpu.memory_space<hbm>>
        tpu.enqueue_indirect_dma source(%dma_start3A_211 : memref<100000xf32, #tpu.memory_space<hbm>>) target(%dma_start3A_203 : memref<128xf32, #tpu.memory_space<vmem>>) offsets(%dma_start3A_206 : memref<128xi32, #tpu.memory_space<vmem>>) semaphore(%arg10 : memref<!tpu.dma_semaphore, #tpu.memory_space<semaphore_mem>>)
        %mul3A_212 = arith.constant 128 : i32
        %mul3A_213 = arith.muli %scan3A_183, %mul3A_212 : i32
        %dma_start3A_214 = arith.constant 2 : i32
        %dma_start3A_215 = arith.constant 2 : i32
        %dma_start3A_216 = tpu.memref_slice %arg9[%dma_start3A_215, %mul3A_213] : memref<8x1024xf32, #tpu.memory_space<vmem>> -> memref<1x128xf32, #tpu.memory_space<vmem>>
        %dma_start3A_217 = tpu.memref_squeeze %dma_start3A_216 : memref<1x128xf32, #tpu.memory_space<vmem>> -> memref<128xf32, #tpu.memory_space<vmem>>
        %dma_start3A_218 = arith.constant 0 : i32
        %dma_start3A_219 = tpu.memref_slice %arg7[%scan3A_183, %dma_start3A_218] : memref<8x128xi32, #tpu.memory_space<vmem>> -> memref<1x128xi32, #tpu.memory_space<vmem>>
        %dma_start3A_220 = tpu.memref_squeeze %dma_start3A_219 : memref<1x128xi32, #tpu.memory_space<vmem>> -> memref<128xi32, #tpu.memory_space<vmem>>
        %dma_start3A_221 = arith.constant 0 : i32
        %dma_start3A_222 = tpu.memref_slice %arg4[%dma_start3A_214, %dma_start3A_221] : memref<8x100000xf32, #tpu.memory_space<hbm>> -> memref<1x100000xf32, #tpu.memory_space<hbm>>
        %dma_start3A_223 = tpu.memref_squeeze %dma_start3A_222 : memref<1x100000xf32, #tpu.memory_space<hbm>> -> memref<100000xf32, #tpu.memory_space<hbm>>
        %dma_start3A_224 = arith.constant 0 : i32
        %dma_start3A_225 = tpu.memref_slice %dma_start3A_223[%dma_start3A_224] : memref<100000xf32, #tpu.memory_space<hbm>> -> memref<100000xf32, #tpu.memory_space<hbm>>
        tpu.enqueue_indirect_dma source(%dma_start3A_225 : memref<100000xf32, #tpu.memory_space<hbm>>) target(%dma_start3A_217 : memref<128xf32, #tpu.memory_space<vmem>>) offsets(%dma_start3A_220 : memref<128xi32, #tpu.memory_space<vmem>>) semaphore(%arg10 : memref<!tpu.dma_semaphore, #tpu.memory_space<semaphore_mem>>)
        %mul3A_226 = arith.constant 128 : i32
        %mul3A_227 = arith.muli %scan3A_183, %mul3A_226 : i32
        %dma_start3A_228 = arith.constant 3 : i32
        %dma_start3A_229 = arith.constant 3 : i32
        %dma_start3A_230 = tpu.memref_slice %arg9[%dma_start3A_229, %mul3A_227] : memref<8x1024xf32, #tpu.memory_space<vmem>> -> memref<1x128xf32, #tpu.memory_space<vmem>>
        %dma_start3A_231 = tpu.memref_squeeze %dma_start3A_230 : memref<1x128xf32, #tpu.memory_space<vmem>> -> memref<128xf32, #tpu.memory_space<vmem>>
        %dma_start3A_232 = arith.constant 0 : i32
        %dma_start3A_233 = tpu.memref_slice %arg7[%scan3A_183, %dma_start3A_232] : memref<8x128xi32, #tpu.memory_space<vmem>> -> memref<1x128xi32, #tpu.memory_space<vmem>>
        %dma_start3A_234 = tpu.memref_squeeze %dma_start3A_233 : memref<1x128xi32, #tpu.memory_space<vmem>> -> memref<128xi32, #tpu.memory_space<vmem>>
        %dma_start3A_235 = arith.constant 0 : i32
        %dma_start3A_236 = tpu.memref_slice %arg4[%dma_start3A_228, %dma_start3A_235] : memref<8x100000xf32, #tpu.memory_space<hbm>> -> memref<1x100000xf32, #tpu.memory_space<hbm>>
        %dma_start3A_237 = tpu.memref_squeeze %dma_start3A_236 : memref<1x100000xf32, #tpu.memory_space<hbm>> -> memref<100000xf32, #tpu.memory_space<hbm>>
        %dma_start3A_238 = arith.constant 0 : i32
        %dma_start3A_239 = tpu.memref_slice %dma_start3A_237[%dma_start3A_238] : memref<100000xf32, #tpu.memory_space<hbm>> -> memref<100000xf32, #tpu.memory_space<hbm>>
        tpu.enqueue_indirect_dma source(%dma_start3A_239 : memref<100000xf32, #tpu.memory_space<hbm>>) target(%dma_start3A_231 : memref<128xf32, #tpu.memory_space<vmem>>) offsets(%dma_start3A_234 : memref<128xi32, #tpu.memory_space<vmem>>) semaphore(%arg10 : memref<!tpu.dma_semaphore, #tpu.memory_space<semaphore_mem>>)
        %mul3A_240 = arith.constant 128 : i32
        %mul3A_241 = arith.muli %scan3A_183, %mul3A_240 : i32
        %dma_start3A_242 = arith.constant 4 : i32
        %dma_start3A_243 = arith.constant 4 : i32
        %dma_start3A_244 = tpu.memref_slice %arg9[%dma_start3A_243, %mul3A_241] : memref<8x1024xf32, #tpu.memory_space<vmem>> -> memref<1x128xf32, #tpu.memory_space<vmem>>
        %dma_start3A_245 = tpu.memref_squeeze %dma_start3A_244 : memref<1x128xf32, #tpu.memory_space<vmem>> -> memref<128xf32, #tpu.memory_space<vmem>>
        %dma_start3A_246 = arith.constant 0 : i32
        %dma_start3A_247 = tpu.memref_slice %arg7[%scan3A_183, %dma_start3A_246] : memref<8x128xi32, #tpu.memory_space<vmem>> -> memref<1x128xi32, #tpu.memory_space<vmem>>
        %dma_start3A_248 = tpu.memref_squeeze %dma_start3A_247 : memref<1x128xi32, #tpu.memory_space<vmem>> -> memref<128xi32, #tpu.memory_space<vmem>>
        %dma_start3A_249 = arith.constant 0 : i32
        %dma_start3A_250 = tpu.memref_slice %arg4[%dma_start3A_242, %dma_start3A_249] : memref<8x100000xf32, #tpu.memory_space<hbm>> -> memref<1x100000xf32, #tpu.memory_space<hbm>>
        %dma_start3A_251 = tpu.memref_squeeze %dma_start3A_250 : memref<1x100000xf32, #tpu.memory_space<hbm>> -> memref<100000xf32, #tpu.memory_space<hbm>>
        %dma_start3A_252 = arith.constant 0 : i32
        %dma_start3A_253 = tpu.memref_slice %dma_start3A_251[%dma_start3A_252] : memref<100000xf32, #tpu.memory_space<hbm>> -> memref<100000xf32, #tpu.memory_space<hbm>>
        tpu.enqueue_indirect_dma source(%dma_start3A_253 : memref<100000xf32, #tpu.memory_space<hbm>>) target(%dma_start3A_245 : memref<128xf32, #tpu.memory_space<vmem>>) offsets(%dma_start3A_248 : memref<128xi32, #tpu.memory_space<vmem>>) semaphore(%arg10 : memref<!tpu.dma_semaphore, #tpu.memory_space<semaphore_mem>>)
        %mul3A_254 = arith.constant 128 : i32
        %mul3A_255 = arith.muli %scan3A_183, %mul3A_254 : i32
        %dma_start3A_256 = arith.constant 5 : i32
        %dma_start3A_257 = arith.constant 5 : i32
        %dma_start3A_258 = tpu.memref_slice %arg9[%dma_start3A_257, %mul3A_255] : memref<8x1024xf32, #tpu.memory_space<vmem>> -> memref<1x128xf32, #tpu.memory_space<vmem>>
        %dma_start3A_259 = tpu.memref_squeeze %dma_start3A_258 : memref<1x128xf32, #tpu.memory_space<vmem>> -> memref<128xf32, #tpu.memory_space<vmem>>
        %dma_start3A_260 = arith.constant 0 : i32
        %dma_start3A_261 = tpu.memref_slice %arg7[%scan3A_183, %dma_start3A_260] : memref<8x128xi32, #tpu.memory_space<vmem>> -> memref<1x128xi32, #tpu.memory_space<vmem>>
        %dma_start3A_262 = tpu.memref_squeeze %dma_start3A_261 : memref<1x128xi32, #tpu.memory_space<vmem>> -> memref<128xi32, #tpu.memory_space<vmem>>
        %dma_start3A_263 = arith.constant 0 : i32
        %dma_start3A_264 = tpu.memref_slice %arg4[%dma_start3A_256, %dma_start3A_263] : memref<8x100000xf32, #tpu.memory_space<hbm>> -> memref<1x100000xf32, #tpu.memory_space<hbm>>
        %dma_start3A_265 = tpu.memref_squeeze %dma_start3A_264 : memref<1x100000xf32, #tpu.memory_space<hbm>> -> memref<100000xf32, #tpu.memory_space<hbm>>
        %dma_start3A_266 = arith.constant 0 : i32
        %dma_start3A_267 = tpu.memref_slice %dma_start3A_265[%dma_start3A_266] : memref<100000xf32, #tpu.memory_space<hbm>> -> memref<100000xf32, #tpu.memory_space<hbm>>
        tpu.enqueue_indirect_dma source(%dma_start3A_267 : memref<100000xf32, #tpu.memory_space<hbm>>) target(%dma_start3A_259 : memref<128xf32, #tpu.memory_space<vmem>>) offsets(%dma_start3A_262 : memref<128xi32, #tpu.memory_space<vmem>>) semaphore(%arg10 : memref<!tpu.dma_semaphore, #tpu.memory_space<semaphore_mem>>)
        %mul3A_268 = arith.constant 128 : i32
        %mul3A_269 = arith.muli %scan3A_183, %mul3A_268 : i32
        %dma_start3A_270 = arith.constant 6 : i32
        %dma_start3A_271 = arith.constant 6 : i32
        %dma_start3A_272 = tpu.memref_slice %arg9[%dma_start3A_271, %mul3A_269] : memref<8x1024xf32, #tpu.memory_space<vmem>> -> memref<1x128xf32, #tpu.memory_space<vmem>>
        %dma_start3A_273 = tpu.memref_squeeze %dma_start3A_272 : memref<1x128xf32, #tpu.memory_space<vmem>> -> memref<128xf32, #tpu.memory_space<vmem>>
        %dma_start3A_274 = arith.constant 0 : i32
        %dma_start3A_275 = tpu.memref_slice %arg7[%scan3A_183, %dma_start3A_274] : memref<8x128xi32, #tpu.memory_space<vmem>> -> memref<1x128xi32, #tpu.memory_space<vmem>>
        %dma_start3A_276 = tpu.memref_squeeze %dma_start3A_275 : memref<1x128xi32, #tpu.memory_space<vmem>> -> memref<128xi32, #tpu.memory_space<vmem>>
        %dma_start3A_277 = arith.constant 0 : i32
        %dma_start3A_278 = tpu.memref_slice %arg4[%dma_start3A_270, %dma_start3A_277] : memref<8x100000xf32, #tpu.memory_space<hbm>> -> memref<1x100000xf32, #tpu.memory_space<hbm>>
        %dma_start3A_279 = tpu.memref_squeeze %dma_start3A_278 : memref<1x100000xf32, #tpu.memory_space<hbm>> -> memref<100000xf32, #tpu.memory_space<hbm>>
        %dma_start3A_280 = arith.constant 0 : i32
        %dma_start3A_281 = tpu.memref_slice %dma_start3A_279[%dma_start3A_280] : memref<100000xf32, #tpu.memory_space<hbm>> -> memref<100000xf32, #tpu.memory_space<hbm>>
        tpu.enqueue_indirect_dma source(%dma_start3A_281 : memref<100000xf32, #tpu.memory_space<hbm>>) target(%dma_start3A_273 : memref<128xf32, #tpu.memory_space<vmem>>) offsets(%dma_start3A_276 : memref<128xi32, #tpu.memory_space<vmem>>) semaphore(%arg10 : memref<!tpu.dma_semaphore, #tpu.memory_space<semaphore_mem>>)
        %mul3A_282 = arith.constant 128 : i32
        %mul3A_283 = arith.muli %scan3A_183, %mul3A_282 : i32
        %dma_start3A_284 = arith.constant 7 : i32
        %dma_start3A_285 = arith.constant 7 : i32
        %dma_start3A_286 = tpu.memref_slice %arg9[%dma_start3A_285, %mul3A_283] : memref<8x1024xf32, #tpu.memory_space<vmem>> -> memref<1x128xf32, #tpu.memory_space<vmem>>
        %dma_start3A_287 = tpu.memref_squeeze %dma_start3A_286 : memref<1x128xf32, #tpu.memory_space<vmem>> -> memref<128xf32, #tpu.memory_space<vmem>>
        %dma_start3A_288 = arith.constant 0 : i32
        %dma_start3A_289 = tpu.memref_slice %arg7[%scan3A_183, %dma_start3A_288] : memref<8x128xi32, #tpu.memory_space<vmem>> -> memref<1x128xi32, #tpu.memory_space<vmem>>
        %dma_start3A_290 = tpu.memref_squeeze %dma_start3A_289 : memref<1x128xi32, #tpu.memory_space<vmem>> -> memref<128xi32, #tpu.memory_space<vmem>>
        %dma_start3A_291 = arith.constant 0 : i32
        %dma_start3A_292 = tpu.memref_slice %arg4[%dma_start3A_284, %dma_start3A_291] : memref<8x100000xf32, #tpu.memory_space<hbm>> -> memref<1x100000xf32, #tpu.memory_space<hbm>>
        %dma_start3A_293 = tpu.memref_squeeze %dma_start3A_292 : memref<1x100000xf32, #tpu.memory_space<hbm>> -> memref<100000xf32, #tpu.memory_space<hbm>>
        %dma_start3A_294 = arith.constant 0 : i32
        %dma_start3A_295 = tpu.memref_slice %dma_start3A_293[%dma_start3A_294] : memref<100000xf32, #tpu.memory_space<hbm>> -> memref<100000xf32, #tpu.memory_space<hbm>>
        tpu.enqueue_indirect_dma source(%dma_start3A_295 : memref<100000xf32, #tpu.memory_space<hbm>>) target(%dma_start3A_287 : memref<128xf32, #tpu.memory_space<vmem>>) offsets(%dma_start3A_290 : memref<128xi32, #tpu.memory_space<vmem>>) semaphore(%arg10 : memref<!tpu.dma_semaphore, #tpu.memory_space<semaphore_mem>>)
      }
      %scan3A_95 = arith.constant 8 : i32
      %dma_wait3A = arith.constant 0 : i32
      %dma_wait3A_96 = arith.constant 0 : i32
      %dma_wait3A_97 = arith.constant 0 : i32
      %dma_wait3A_98 = tpu.memref_slice %arg8[%dma_wait3A_96, %dma_wait3A_97] : memref<1024x32xf32, #tpu.memory_space<vmem>> -> memref<128x32xf32, #tpu.memory_space<vmem>>
      %dma_wait3A_99 = arith.constant 0 : i32
      %dma_wait3A_100 = tpu.memref_slice %arg7[%dma_wait3A, %dma_wait3A_99] : memref<8x128xi32, #tpu.memory_space<vmem>> -> memref<1x128xi32, #tpu.memory_space<vmem>>
      %dma_wait3A_101 = tpu.memref_squeeze %dma_wait3A_100 : memref<1x128xi32, #tpu.memory_space<vmem>> -> memref<128xi32, #tpu.memory_space<vmem>>
      %dma_wait3A_102 = arith.constant 0 : i32
      %dma_wait3A_103 = arith.constant 0 : i32
      %dma_wait3A_104 = tpu.memref_slice %arg3[%dma_wait3A_102, %dma_wait3A_103] : memref<100000x32xf32, #tpu.memory_space<hbm>> -> memref<100000x32xf32, #tpu.memory_space<hbm>>
      tpu.wait_indirect_dma semaphore(%arg10 : memref<!tpu.dma_semaphore, #tpu.memory_space<semaphore_mem>>) src(%dma_wait3A_104 : memref<100000x32xf32, #tpu.memory_space<hbm>>) dst(%dma_wait3A_98 : memref<128x32xf32, #tpu.memory_space<vmem>>)
      %dma_wait3A_105 = arith.constant 1 : i32
      %dma_wait3A_106 = arith.constant 128 : i32
      %dma_wait3A_107 = arith.constant 0 : i32
      %dma_wait3A_108 = tpu.memref_slice %arg8[%dma_wait3A_106, %dma_wait3A_107] : memref<1024x32xf32, #tpu.memory_space<vmem>> -> memref<128x32xf32, #tpu.memory_space<vmem>>
      %dma_wait3A_109 = arith.constant 0 : i32
      %dma_wait3A_110 = tpu.memref_slice %arg7[%dma_wait3A_105, %dma_wait3A_109] : memref<8x128xi32, #tpu.memory_space<vmem>> -> memref<1x128xi32, #tpu.memory_space<vmem>>
      %dma_wait3A_111 = tpu.memref_squeeze %dma_wait3A_110 : memref<1x128xi32, #tpu.memory_space<vmem>> -> memref<128xi32, #tpu.memory_space<vmem>>
      %dma_wait3A_112 = arith.constant 0 : i32
      %dma_wait3A_113 = arith.constant 0 : i32
      %dma_wait3A_114 = tpu.memref_slice %arg3[%dma_wait3A_112, %dma_wait3A_113] : memref<100000x32xf32, #tpu.memory_space<hbm>> -> memref<100000x32xf32, #tpu.memory_space<hbm>>
      tpu.wait_indirect_dma semaphore(%arg10 : memref<!tpu.dma_semaphore, #tpu.memory_space<semaphore_mem>>) src(%dma_wait3A_114 : memref<100000x32xf32, #tpu.memory_space<hbm>>) dst(%dma_wait3A_108 : memref<128x32xf32, #tpu.memory_space<vmem>>)
      %dma_wait3A_115 = arith.constant 2 : i32
      %dma_wait3A_116 = arith.constant 256 : i32
      %dma_wait3A_117 = arith.constant 0 : i32
      %dma_wait3A_118 = tpu.memref_slice %arg8[%dma_wait3A_116, %dma_wait3A_117] : memref<1024x32xf32, #tpu.memory_space<vmem>> -> memref<128x32xf32, #tpu.memory_space<vmem>>
      %dma_wait3A_119 = arith.constant 0 : i32
      %dma_wait3A_120 = tpu.memref_slice %arg7[%dma_wait3A_115, %dma_wait3A_119] : memref<8x128xi32, #tpu.memory_space<vmem>> -> memref<1x128xi32, #tpu.memory_space<vmem>>
      %dma_wait3A_121 = tpu.memref_squeeze %dma_wait3A_120 : memref<1x128xi32, #tpu.memory_space<vmem>> -> memref<128xi32, #tpu.memory_space<vmem>>
      %dma_wait3A_122 = arith.constant 0 : i32
      %dma_wait3A_123 = arith.constant 0 : i32
      %dma_wait3A_124 = tpu.memref_slice %arg3[%dma_wait3A_122, %dma_wait3A_123] : memref<100000x32xf32, #tpu.memory_space<hbm>> -> memref<100000x32xf32, #tpu.memory_space<hbm>>
      tpu.wait_indirect_dma semaphore(%arg10 : memref<!tpu.dma_semaphore, #tpu.memory_space<semaphore_mem>>) src(%dma_wait3A_124 : memref<100000x32xf32, #tpu.memory_space<hbm>>) dst(%dma_wait3A_118 : memref<128x32xf32, #tpu.memory_space<vmem>>)
      %dma_wait3A_125 = arith.constant 3 : i32
      %dma_wait3A_126 = arith.constant 384 : i32
      %dma_wait3A_127 = arith.constant 0 : i32
      %dma_wait3A_128 = tpu.memref_slice %arg8[%dma_wait3A_126, %dma_wait3A_127] : memref<1024x32xf32, #tpu.memory_space<vmem>> -> memref<128x32xf32, #tpu.memory_space<vmem>>
      %dma_wait3A_129 = arith.constant 0 : i32
      %dma_wait3A_130 = tpu.memref_slice %arg7[%dma_wait3A_125, %dma_wait3A_129] : memref<8x128xi32, #tpu.memory_space<vmem>> -> memref<1x128xi32, #tpu.memory_space<vmem>>
      %dma_wait3A_131 = tpu.memref_squeeze %dma_wait3A_130 : memref<1x128xi32, #tpu.memory_space<vmem>> -> memref<128xi32, #tpu.memory_space<vmem>>
      %dma_wait3A_132 = arith.constant 0 : i32
      %dma_wait3A_133 = arith.constant 0 : i32
      %dma_wait3A_134 = tpu.memref_slice %arg3[%dma_wait3A_132, %dma_wait3A_133] : memref<100000x32xf32, #tpu.memory_space<hbm>> -> memref<100000x32xf32, #tpu.memory_space<hbm>>
      tpu.wait_indirect_dma semaphore(%arg10 : memref<!tpu.dma_semaphore, #tpu.memory_space<semaphore_mem>>) src(%dma_wait3A_134 : memref<100000x32xf32, #tpu.memory_space<hbm>>) dst(%dma_wait3A_128 : memref<128x32xf32, #tpu.memory_space<vmem>>)
      %dma_wait3A_135 = arith.constant 4 : i32
      %dma_wait3A_136 = arith.constant 512 : i32
      %dma_wait3A_137 = arith.constant 0 : i32
      %dma_wait3A_138 = tpu.memref_slice %arg8[%dma_wait3A_136, %dma_wait3A_137] : memref<1024x32xf32, #tpu.memory_space<vmem>> -> memref<128x32xf32, #tpu.memory_space<vmem>>
      %dma_wait3A_139 = arith.constant 0 : i32
      %dma_wait3A_140 = tpu.memref_slice %arg7[%dma_wait3A_135, %dma_wait3A_139] : memref<8x128xi32, #tpu.memory_space<vmem>> -> memref<1x128xi32, #tpu.memory_space<vmem>>
      %dma_wait3A_141 = tpu.memref_squeeze %dma_wait3A_140 : memref<1x128xi32, #tpu.memory_space<vmem>> -> memref<128xi32, #tpu.memory_space<vmem>>
      %dma_wait3A_142 = arith.constant 0 : i32
      %dma_wait3A_143 = arith.constant 0 : i32
      %dma_wait3A_144 = tpu.memref_slice %arg3[%dma_wait3A_142, %dma_wait3A_143] : memref<100000x32xf32, #tpu.memory_space<hbm>> -> memref<100000x32xf32, #tpu.memory_space<hbm>>
      tpu.wait_indirect_dma semaphore(%arg10 : memref<!tpu.dma_semaphore, #tpu.memory_space<semaphore_mem>>) src(%dma_wait3A_144 : memref<100000x32xf32, #tpu.memory_space<hbm>>) dst(%dma_wait3A_138 : memref<128x32xf32, #tpu.memory_space<vmem>>)
      %dma_wait3A_145 = arith.constant 5 : i32
      %dma_wait3A_146 = arith.constant 640 : i32
      %dma_wait3A_147 = arith.constant 0 : i32
      %dma_wait3A_148 = tpu.memref_slice %arg8[%dma_wait3A_146, %dma_wait3A_147] : memref<1024x32xf32, #tpu.memory_space<vmem>> -> memref<128x32xf32, #tpu.memory_space<vmem>>
      %dma_wait3A_149 = arith.constant 0 : i32
      %dma_wait3A_150 = tpu.memref_slice %arg7[%dma_wait3A_145, %dma_wait3A_149] : memref<8x128xi32, #tpu.memory_space<vmem>> -> memref<1x128xi32, #tpu.memory_space<vmem>>
      %dma_wait3A_151 = tpu.memref_squeeze %dma_wait3A_150 : memref<1x128xi32, #tpu.memory_space<vmem>> -> memref<128xi32, #tpu.memory_space<vmem>>
      %dma_wait3A_152 = arith.constant 0 : i32
      %dma_wait3A_153 = arith.constant 0 : i32
      %dma_wait3A_154 = tpu.memref_slice %arg3[%dma_wait3A_152, %dma_wait3A_153] : memref<100000x32xf32, #tpu.memory_space<hbm>> -> memref<100000x32xf32, #tpu.memory_space<hbm>>
      tpu.wait_indirect_dma semaphore(%arg10 : memref<!tpu.dma_semaphore, #tpu.memory_space<semaphore_mem>>) src(%dma_wait3A_154 : memref<100000x32xf32, #tpu.memory_space<hbm>>) dst(%dma_wait3A_148 : memref<128x32xf32, #tpu.memory_space<vmem>>)
      %dma_wait3A_155 = arith.constant 6 : i32
      %dma_wait3A_156 = arith.constant 768 : i32
      %dma_wait3A_157 = arith.constant 0 : i32
      %dma_wait3A_158 = tpu.memref_slice %arg8[%dma_wait3A_156, %dma_wait3A_157] : memref<1024x32xf32, #tpu.memory_space<vmem>> -> memref<128x32xf32, #tpu.memory_space<vmem>>
      %dma_wait3A_159 = arith.constant 0 : i32
      %dma_wait3A_160 = tpu.memref_slice %arg7[%dma_wait3A_155, %dma_wait3A_159] : memref<8x128xi32, #tpu.memory_space<vmem>> -> memref<1x128xi32, #tpu.memory_space<vmem>>
      %dma_wait3A_161 = tpu.memref_squeeze %dma_wait3A_160 : memref<1x128xi32, #tpu.memory_space<vmem>> -> memref<128xi32, #tpu.memory_space<vmem>>
      %dma_wait3A_162 = arith.constant 0 : i32
      %dma_wait3A_163 = arith.constant 0 : i32
      %dma_wait3A_164 = tpu.memref_slice %arg3[%dma_wait3A_162, %dma_wait3A_163] : memref<100000x32xf32, #tpu.memory_space<hbm>> -> memref<100000x32xf32, #tpu.memory_space<hbm>>
      tpu.wait_indirect_dma semaphore(%arg10 : memref<!tpu.dma_semaphore, #tpu.memory_space<semaphore_mem>>) src(%dma_wait3A_164 : memref<100000x32xf32, #tpu.memory_space<hbm>>) dst(%dma_wait3A_158 : memref<128x32xf32, #tpu.memory_space<vmem>>)
      %dma_wait3A_165 = arith.constant 7 : i32
      %dma_wait3A_166 = arith.constant 896 : i32
      %dma_wait3A_167 = arith.constant 0 : i32
      %dma_wait3A_168 = tpu.memref_slice %arg8[%dma_wait3A_166, %dma_wait3A_167] : memref<1024x32xf32, #tpu.memory_space<vmem>> -> memref<128x32xf32, #tpu.memory_space<vmem>>
      %dma_wait3A_169 = arith.constant 0 : i32
      %dma_wait3A_170 = tpu.memref_slice %arg7[%dma_wait3A_165, %dma_wait3A_169] : memref<8x128xi32, #tpu.memory_space<vmem>> -> memref<1x128xi32, #tpu.memory_space<vmem>>
      %dma_wait3A_171 = tpu.memref_squeeze %dma_wait3A_170 : memref<1x128xi32, #tpu.memory_space<vmem>> -> memref<128xi32, #tpu.memory_space<vmem>>
      %dma_wait3A_172 = arith.constant 0 : i32
      %dma_wait3A_173 = arith.constant 0 : i32
      %dma_wait3A_174 = tpu.memref_slice %arg3[%dma_wait3A_172, %dma_wait3A_173] : memref<100000x32xf32, #tpu.memory_space<hbm>> -> memref<100000x32xf32, #tpu.memory_space<hbm>>
      tpu.wait_indirect_dma semaphore(%arg10 : memref<!tpu.dma_semaphore, #tpu.memory_space<semaphore_mem>>) src(%dma_wait3A_174 : memref<100000x32xf32, #tpu.memory_space<hbm>>) dst(%dma_wait3A_168 : memref<128x32xf32, #tpu.memory_space<vmem>>)
      %dma_wait3A_175 = arith.constant 0 : i32
      %dma_wait3A_176 = arith.constant 0 : i32
      %dma_wait3A_177 = tpu.memref_slice %arg4[%dma_wait3A_175, %dma_wait3A_176] : memref<8x100000xf32, #tpu.memory_space<hbm>> -> memref<8x1024xf32, #tpu.memory_space<hbm>>
      %dma_wait3A_178 = arith.constant 0 : i32
      %dma_wait3A_179 = arith.constant 0 : i32
      %dma_wait3A_180 = tpu.memref_slice %arg4[%dma_wait3A_178, %dma_wait3A_179] : memref<8x100000xf32, #tpu.memory_space<hbm>> -> memref<8x1024xf32, #tpu.memory_space<hbm>>
      tpu.wait_dma2 semaphore(%arg10 : memref<!tpu.dma_semaphore, #tpu.memory_space<semaphore_mem>>) src(%dma_wait3A_180 : memref<8x1024xf32, #tpu.memory_space<hbm>>) dst(%arg9 : memref<8x1024xf32, #tpu.memory_space<vmem>>)
      %mul3A_181 = arith.constant 1024 : i32
      %mul3A_182 = arith.muli %add3A_6, %mul3A_181 : i32
      "tpu.region"() ({
        %run_scoped3A = tpu.sem_alloc : memref<!tpu.dma_semaphore, #tpu.memory_space<semaphore_mem>>
        %dma_start3A_183 = arith.constant 0 : i32
        %dma_start3A_184 = tpu.memref_slice %arg5[%mul3A_182, %dma_start3A_183] : memref<51200x32xf32, #tpu.memory_space<hbm>> -> memref<1024x32xf32, #tpu.memory_space<hbm>>
        %dma_start3A_185 = arith.constant 0 : i32
        %dma_start3A_186 = tpu.memref_slice %arg5[%mul3A_182, %dma_start3A_185] : memref<51200x32xf32, #tpu.memory_space<hbm>> -> memref<1024x32xf32, #tpu.memory_space<hbm>>
        tpu.enqueue_dma source(%arg8 : memref<1024x32xf32, #tpu.memory_space<vmem>>) target(%dma_start3A_186 : memref<1024x32xf32, #tpu.memory_space<hbm>>) target_semaphore(%run_scoped3A : memref<!tpu.dma_semaphore, #tpu.memory_space<semaphore_mem>>)
        %dma_wait3A_187 = arith.constant 0 : i32
        %dma_wait3A_188 = tpu.memref_slice %arg5[%mul3A_182, %dma_wait3A_187] : memref<51200x32xf32, #tpu.memory_space<hbm>> -> memref<1024x32xf32, #tpu.memory_space<hbm>>
        %dma_wait3A_189 = arith.constant 0 : i32
        %dma_wait3A_190 = tpu.memref_slice %arg5[%mul3A_182, %dma_wait3A_189] : memref<51200x32xf32, #tpu.memory_space<hbm>> -> memref<1024x32xf32, #tpu.memory_space<hbm>>
        tpu.wait_dma2 semaphore(%run_scoped3A : memref<!tpu.dma_semaphore, #tpu.memory_space<semaphore_mem>>) src(%arg8 : memref<1024x32xf32, #tpu.memory_space<vmem>>) dst(%dma_wait3A_190 : memref<1024x32xf32, #tpu.memory_space<hbm>>)
        tpu.yield
      }) : () -> ()
      "tpu.region"() ({
        %run_scoped3A = tpu.sem_alloc : memref<!tpu.dma_semaphore, #tpu.memory_space<semaphore_mem>>
        %dma_start3A_183 = arith.constant 0 : i32
        %dma_start3A_184 = arith.constant 0 : i32
        %dma_start3A_185 = tpu.memref_slice %arg6[%add3A_6, %dma_start3A_183, %dma_start3A_184] : memref<50x8x1024xf32, #tpu.memory_space<hbm>> -> memref<1x8x1024xf32, #tpu.memory_space<hbm>>
        %dma_start3A_186 = tpu.memref_squeeze %dma_start3A_185 : memref<1x8x1024xf32, #tpu.memory_space<hbm>> -> memref<8x1024xf32, #tpu.memory_space<hbm>>
        %dma_start3A_187 = arith.constant 0 : i32
        %dma_start3A_188 = arith.constant 0 : i32
        %dma_start3A_189 = tpu.memref_slice %arg6[%add3A_6, %dma_start3A_187, %dma_start3A_188] : memref<50x8x1024xf32, #tpu.memory_space<hbm>> -> memref<1x8x1024xf32, #tpu.memory_space<hbm>>
        %dma_start3A_190 = tpu.memref_squeeze %dma_start3A_189 : memref<1x8x1024xf32, #tpu.memory_space<hbm>> -> memref<8x1024xf32, #tpu.memory_space<hbm>>
        tpu.enqueue_dma source(%arg9 : memref<8x1024xf32, #tpu.memory_space<vmem>>) target(%dma_start3A_190 : memref<8x1024xf32, #tpu.memory_space<hbm>>) target_semaphore(%run_scoped3A : memref<!tpu.dma_semaphore, #tpu.memory_space<semaphore_mem>>)
        %dma_wait3A_191 = arith.constant 0 : i32
        %dma_wait3A_192 = arith.constant 0 : i32
        %dma_wait3A_193 = tpu.memref_slice %arg6[%add3A_6, %dma_wait3A_191, %dma_wait3A_192] : memref<50x8x1024xf32, #tpu.memory_space<hbm>> -> memref<1x8x1024xf32, #tpu.memory_space<hbm>>
        %dma_wait3A_194 = tpu.memref_squeeze %dma_wait3A_193 : memref<1x8x1024xf32, #tpu.memory_space<hbm>> -> memref<8x1024xf32, #tpu.memory_space<hbm>>
        %dma_wait3A_195 = arith.constant 0 : i32
        %dma_wait3A_196 = arith.constant 0 : i32
        %dma_wait3A_197 = tpu.memref_slice %arg6[%add3A_6, %dma_wait3A_195, %dma_wait3A_196] : memref<50x8x1024xf32, #tpu.memory_space<hbm>> -> memref<1x8x1024xf32, #tpu.memory_space<hbm>>
        %dma_wait3A_198 = tpu.memref_squeeze %dma_wait3A_197 : memref<1x8x1024xf32, #tpu.memory_space<hbm>> -> memref<8x1024xf32, #tpu.memory_space<hbm>>
        tpu.wait_dma2 semaphore(%run_scoped3A : memref<!tpu.dma_semaphore, #tpu.memory_space<semaphore_mem>>) src(%arg9 : memref<8x1024xf32, #tpu.memory_space<vmem>>) dst(%dma_wait3A_198 : memref<8x1024xf32, #tpu.memory_space<hbm>>)
        tpu.yield
      }) : () -> ()
    } else {
    }
    return
  }
}

</mosaic_0001>

<sc_bundles>
// kernel: _sc_gather.3.cloned.1.call-start
scs
__scs_entry_jumppad:
0x0: {  	(pc) =	sbr.rel $0x88, $3  }
0x1: {  	(tag) =	ssettag $0x0;
	lr =	simm.s32 $0x1  }
0x2: {  	[smem:$0x3F9E] =	sst lr;
	_ =	strace $0xD0000000  }
0x3: {  	_ = 	snop  }
0x4: {  	_ = 	snop  }
0x5: {  	_ = 	snop  }
0x6: {  	_ = 	snop  }
0x7: {  	_ = 	snop  }
__scs_overlays_trampoline_lowered:
0x8: {  	[smem:$0x3FAD] =	sst s0  }
0x9: {  	[smem:$0x3FAE] =	sst s1  }
0xa: {  	[smem:$0x3FAF] =	sst s2  }
0xb: {  	[smem:$0x3FB0] =	sst s3  }
0xc: {  	[smem:$0x3FB1] =	sst s4  }
0xd: {  	[smem:$0x3FB2] =	sst s5  }
0xe: {  	[smem:$0x3FB3] =	sst s6  }
0xf: {  	[smem:$0x3FB4] =	sst s7  }
0x10: {  	[smem:$0x3FB5] =	sst s8  }
0x11: {  	[smem:$0x3FB6] =	sst s9;
	s0 =	simm.s32 @!p0 $0x0  }
0x12: {  	s1 =	sld [smem:$0x3F9C];
	s0 =	simm.s32 @p0 $0x1  }
0x13: {  	[smem:$0x3FB7] =	sst s0;
	s0 =	simm.s32 @!p1 $0x0  }
0x14: {  	s2 =	sld [smem:$0x3F9B];
	s0 =	simm.s32 @p1 $0x1  }
0x15: {  	[smem:$0x3FB8] =	sst s0;
	s0 =	simm.s32 @!p2 $0x0  }
0x16: {  	s3 =	sld [smem:$0x3FDB];
	s0 =	simm.s32 @p2 $0x1  }
0x17: {  	s4 =	simm.s32 $0x1BF5;
	[smem:$0x3FBA] =	sst s0  }
0x18: {  	s0 =	sld [smem:$0x3F9D];
	_ =	swait.ge [sflag:s4], $0x0  }
0x19: {  	s7 =	sld [smem:$0x3F9E]  }
0x1a: {  	s8 =	sadd.s32 $0xFFFFE003, lr  }
0x1b: {  	s9 =	sadd.s32 $0xFFFFFEF7, lr;
	s5 =	simm.s32 $0xFFFFFFFF;
	p2 =	slt.u32 s8, $0xFFFFF086  }
0x1c: {  	p1 =	slt.u32 s9, $0xF7A;
	s5 =	simm.s32 @!p2 $0x0  }
0x1d: {  	s5 =	simm.s32 @p1 $0x1;
	p0 =	seq.s32 s7, s2  }
0x1e: {  	s7 =	smul.u32 @!p0 $0xF7A, s2;
	p2 =	seq.s32 @!p0 s5, $0x0  }
0x1f: {  	s9 =	smul.u32 $0xF7A, s1;
	s8 =	simm.s32 @!p0 $0x1BF5;
	p2 =	por !p2, p0  }
0x20: {  	[sflag:s8] =	ssyncset.s32 @!p0 $0xFFFFF086;
	s6 =	sadd.s32 @!p0 s3, s7;
	s7 =	simm.s32 @!p0 $0x108  }
0x21: {  	s3 =	sadd.s32 s3, s9;
	s6 =	sadd.s32 @!p0 $0x88, s6;
	s7 =	simm.s32 @p2 $0x1082  }
0x22: {  	[simem:s7], [sflag:s8] =	dma.local @!p0 [hbm:s6], $0xF7A  }
0x23: {  	s9 =	sor.u32 $0xD0000000, s2;
	s6 =	simm.s32 $0x108;
	_ =	swait.ge @!p0 [sflag:s8], $0x0  }
0x24: {  	s3 =	sadd.s32 $0x88, s3;
	s6 =	simm.s32 @!p1 $0x1082;
	[sflag:s4] =	ssyncset.s32 $0xFFFFF086  }
0x25: {  	[simem:s6], [sflag:s4] =	dma.local [hbm:s3], $0xF7A  }
0x26: {  	[smem:$0x3F9E] =	sst s1;
	(tag) =	ssettag s2;
	_ =	strace s9  }
0x27: {  	s1 =	sld [smem:$0x3FAE]  }
0x28: {  	s2 =	sld [smem:$0x3FAF]  }
0x29: {  	s4 =	sld [smem:$0x3FB1]  }
0x2a: {  	p0 =	seq.s32 s5, $0x0;
	s5 =	sld [smem:$0x3FB2]  }
0x2b: {  	s6 =	sld [smem:$0x3FB3]  }
0x2c: {  	s7 =	sld [smem:$0x3FB4]  }
0x2d: {  	s3 =	simm.s32 $0x108;
	s8 =	sld [smem:$0x3FB5]  }
0x2e: {  	s3 =	simm.s32 @!p0 $0x1082;
	s9 =	sld [smem:$0x3FB6]  }
0x2f: {  	lr =	sadd.s32 s0, s3;
	s0 =	sld [smem:$0x3FAD]  }
0x30: {  	s3 =	sld [smem:$0x3FB0]  }
0x31: {  	[smem:$0x3FB9] =	sst s10  }
0x32: {  	s10 =	sld [smem:$0x3FB7];
	_ =	sdelay $0x3  }
0x33: {  	p0 =	seq.s32 s10, $0x1;
	s10 =	sld [smem:$0x3FB9];
	_ =	sdelay $0x3  }
0x34: {  	[smem:$0x3FB9] =	sst s10  }
0x35: {  	s10 =	sld [smem:$0x3FB8];
	_ =	sdelay $0x3  }
0x36: {  	p1 =	seq.s32 s10, $0x1;
	s10 =	sld [smem:$0x3FB9];
	_ =	sdelay $0x3  }
0x37: {  	[smem:$0x3FB9] =	sst s10  }
0x38: {  	s10 =	sld [smem:$0x3FBA]  }
0x39: {  	_ = 	snop;
	(pc) =	sbr.ind lr, $3  }
0x3a: {  	_ = 	snop  }
0x3b: {  	_ = 	snop  }
0x3c: {  	p2 =	seq.s32 s10, $0x1;
	s10 =	sld [smem:$0x3FB9]  }
0x3d: {  	_ =	shalt  }
0x3e: {  	_ =	shalt  }
0x3f: {  	_ =	shalt  }
0x40: {  	_ =	shalt  }
0x41: {  	_ =	shalt  }
0x42: {  	_ =	shalt  }
0x43: {  	_ =	shalt  }
0x44: {  	_ =	shalt  }
0x45: {  	_ =	shalt  }
0x46: {  	_ =	shalt  }
0x47: {  	_ =	shalt  }
0x48: {  	_ =	shalt  }
0x49: {  	_ =	shalt  }
0x4a: {  	_ =	shalt  }
0x4b: {  	_ =	shalt  }
0x4c: {  	_ =	shalt  }
0x4d: {  	_ =	shalt  }
0x4e: {  	_ =	shalt  }
0x4f: {  	_ =	shalt  }
0x50: {  	_ =	shalt  }
0x51: {  	_ =	shalt  }
0x52: {  	_ =	shalt  }
0x53: {  	_ =	shalt  }
0x54: {  	_ =	shalt  }
0x55: {  	_ =	shalt  }
0x56: {  	_ =	shalt  }
0x57: {  	_ =	shalt  }
0x58: {  	_ =	shalt  }
0x59: {  	_ =	shalt  }
0x5a: {  	_ =	shalt  }
0x5b: {  	_ =	shalt  }
0x5c: {  	_ =	shalt  }
0x5d: {  	_ =	shalt  }
0x5e: {  	_ =	shalt  }
0x5f: {  	_ =	shalt  }
0x60: {  	_ =	shalt  }
0x61: {  	_ =	shalt  }
0x62: {  	_ =	shalt  }
0x63: {  	_ =	shalt  }
0x64: {  	_ =	shalt  }
0x65: {  	_ =	shalt  }
0x66: {  	_ =	shalt  }
0x67: {  	_ =	shalt  }
0x68: {  	_ =	shalt  }
0x69: {  	_ =	shalt  }
0x6a: {  	_ =	shalt  }
0x6b: {  	_ =	shalt  }
0x6c: {  	_ =	shalt  }
0x6d: {  	_ =	shalt  }
0x6e: {  	_ =	shalt  }
0x6f: {  	_ =	shalt  }
0x70: {  	_ =	shalt  }
0x71: {  	_ =	shalt  }
0x72: {  	_ =	shalt  }
0x73: {  	_ =	shalt  }
0x74: {  	_ =	shalt  }
0x75: {  	_ =	shalt  }
0x76: {  	_ =	shalt  }
0x77: {  	_ =	shalt  }
0x78: {  	_ =	shalt  }
0x79: {  	_ =	shalt  }
0x7a: {  	_ =	shalt  }
0x7b: {  	_ =	shalt  }
0x7c: {  	_ =	shalt  }
0x7d: {  	_ =	shalt  }
0x7e: {  	_ =	shalt  }
0x7f: {  	_ =	shalt  }
0x80: {  	_ =	shalt  }
0x81: {  	_ =	shalt  }
0x82: {  	_ =	shalt  }
0x83: {  	_ =	shalt  }
0x84: {  	_ =	shalt  }
0x85: {  	_ =	shalt  }
0x86: {  	_ =	shalt  }
0x87: {  	_ =	shalt  }
.Lfunc_end0:
.L_simem_size_0:
called_computation_lowered:
.L_overlay_start_0:
0x88: {  	s2 =	sld [smem:$0x3FD9]  }
0x89: {  	s3 =	sld [smem:$0x3FFE];
	_ =	sdelay $0x1  }
0x8a: {  	s1 =	srdreg.scid  }
0x8b: {  	s0 =	sand.u32 $0x1, s1  }
0x8c: {  	s14 =	sshll.u32 s0, $0xA;
	s2 =	sadd.s32 s3, s2  }
0x8d: {  	s2 =	sadd.s32 s2, s14  }
0x8e: {  	[smem:$0x3FC5] =	sst s2  }
0x8f: {  	_ = 	snop  }
0x90: {  	s2 =	sld [smem:$0x3FD0];
	_ =	sdelay $0x2  }
0x91: {  	s4 =	simm.s32 $0xA;
	s5 =	simm.s32 $0x10;
	s15 =	sld [smem:$0x3FC9]  }
0x92: {  	[smem:s5], [sflag:s4] =	dma.local [hbm:s2], $0x1  }
0x93: {  	_ =	swait.eq [sflag:s4], $0x1  }
0x94: {  	[sflag:s4] =	ssyncset.done $0x0  }
0x95: {  	s16 =	sld [smem:$0x10];
	[sflag:s4] =	ssyncadd.s32 $0xFFFFFFFF  }
0x96: {  	s17 =	sld [smem:$0x11];
	(tm) =	ssettm $0x1  }
0x97: {  	s18 =	sld [smem:$0x3FFB];
	_ =	sdelay $0x3  }
0x98: {  	_ =	strace s18  }
0x99: {  	s5 =	sld [smem:$0x3FFC];
	_ =	sdelay $0x3  }
0x9a: {  	_ =	strace s5  }
0x9b: {  	s5 =	sld [smem:$0x3FFD];
	_ =	sdelay $0x3  }
0x9c: {  	_ =	strace s5  }
0x9d: {  	_ =	strace $0x8FFFFFFF  }
0x9e: {  	s19 =	sld [smem:$0x3FDB];
	_ =	sdelay $0x1  }
0x9f: {  	s6 =	simm.s32 $_scs_section_size  }
0xa0: {  	s7 =	simm.s32 $_size__tile_overlayer_lowered;
	s8 =	simm.s32 $_tile_overlayer_lowered  }
0xa1: {  	s22 =	simm.s32 $0x1BFF;
	s21 =	sshll.u32 s8, $0x1;
	s5 =	sadd.s32 s6, s19  }
0xa2: {  	s9 =	simm.s32 $0x0;
	s20 =	sshll.u32 s7, $0x1;
	s7 =	sadd.s32 s21, s5  }
0xa3: {  	[timem:s9], [sflag:s22] =	dma.local [hbm:s7], s20  }
0xa4: {  	_ =	swait.ge [sflag:s22], s20  }
0xa5: {  	s6 =	ssub.s32 $0x0, s20;
	[sflag:s22] =	ssyncset.done $0x0  }
0xa6: {  	[sflag:s22] =	ssyncadd.s32 s6;
	_ =	sdelay $0x1  }
0xa7: {  	s23 =	simm.s32 $0x1B8B  }
0xa8: {  	_ =	swait.ge [sflag:s23], $0x1  }
0xa9: {  	[sflag:s23] =	ssyncset.done $0x0  }
0xaa: {  	s25 =	simm.s32 $0x1B8E;
	s24 =	sld [smem:$0x3FFE];
	[sflag:s23] =	ssyncadd.s32 $0xFFFFFFFF  }
0xab: {  	s26 =	simm.s32 $execute0_lowered;
	[smem:$0x3FD2] =	sst s25  }
0xac: {  	s7 =	sshll.u32 s26, $0x1;
	_ =	strace $0x80000046;
	[dreg:$0x1] =	wrdreg $0xFFFFFFFF  }
0xad: {  	s28 =	simm.s32 $_size_execute0_lowered;
	s5 =	sadd.s32 s5, s7;
	[dreg:$0x0] =	wrdreg $0x0  }
0xae: {  	s7 =	sshll.u32 s28, $0x1;
	[dreg:$0x2] =	wrdreg s5  }
0xaf: {  	[dreg:$0x3] =	wrdreg s7  }
0xb0: {  	[dreg:$0x4] =	wrdreg $0xC0  }
0xb1: {  	_ =	task [dreg:s9], $0x5FFFF  }
0xb2: {  	[dreg:$0x1] =	wrdreg $0xFFFFFFFF  }
0xb3: {  	[dreg:$0x0] =	wrdreg $0x60  }
0xb4: {  	[dreg:$0x2] =	wrdreg s15  }
0xb5: {  	[dreg:$0x3] =	wrdreg s24  }
0xb6: {  	[dreg:$0x4] =	wrdreg s16  }
0xb7: {  	[dreg:$0x5] =	wrdreg s17  }
0xb8: {  	[dreg:$0x6] =	wrdreg $0x9  }
0xb9: {  	_ =	task.clear_ibuf [dreg:s9], $0x7FFFF;
	_ =	strace $0x90000046  }
0xba: {  	s29 =	simm.s32 $0x9;
	_ =	strace $0x80000048  }
0xbb: {  	_ =	swait.ge [sflag:s29], $0x1  }
0xbc: {  	[sflag:s29] =	ssyncadd.s32 $0xFFFFFFFF  }
0xbd: {  	_ =	strace $0x90000048  }
0xbe: {  	_ =	sfence  }
0xbf: {  	s30 =	sld [smem:$0x0];
	_ =	sdelay $0x2  }
0xc0: {  	s31 =	sshll.u32 s1, $0xD;
	s1 =	sshrl.u32 s1, $0x2  }
0xc1: {  	s3 =	sand.u32 $0x4000, s31;
	s1 =	sadd.s32 s1, s30  }
0xc2: {  	s0 =	sor.u32 s3, s0;
	s1 =	sshll.u32 s1, $0x11  }
0xc3: {  	s0 =	sor.u32 s1, s0  }
0xc4: {  	s0 =	sadd.s32 $0x8F2B, s0  }
0xc5: {  	[sflag:s0] =	ssyncadd.remote.s32 $0x1  }
0xc6: {  	_ =	sfence.sel $0xFFFF  }
0xc7: {  	[dreg:$0x0] =	wrdreg $0xFFFFFFFF;
	(pc) =	sbr.abs _section_cstart, $3  }
0xc8: {  	[dreg:$0x1] =	wrdreg $0xFFFFFFFF  }
0xc9: {  	_ =	task.clear_ibuf [dreg:s9], $0x2FFFF;
	_ =	strace $0x9FFFFFFF  }
0xca: {  	(tm) =	ssettm $0x7FFFFFFF  }
0xcb: {  	_ =	shalt  }
tec
execute0_lowered:
.L_overlay_start_1:
0x0: {  	(tag) =	ssettag $0x1  }
0x1: {  	s0 =	rddreg [dreg:$0x0]  }
0x2: {  	s1 =	rddreg [dreg:$0x1]  }
0x3: {  	s5 =	rddreg [dreg:$0x2]  }
0x4: {  	s15 =	rddreg [dreg:$0x3]  }
0x5: {  	s2 =	simm.s32 $0x0;
	s3 =	srdreg.scid;
	s19 =	stileid.u32  }
0x6: {  	s20 =	simm.s32 $0x80;
	s28 =	simm.s32 $0x200;
	s30 =	simm.s32 $0x280  }
0x7: {  	s29 =	simm.s32 $0x9780;
	s31 =	simm.s32 $0x9B80;
	[smem:$0x7FF] =	sst s2  }
0x8: {  	s4 =	sand.u32 $0x1, s3;
	s7 =	sshll.u32 s19, $0x1;
	s3 =	sadd.s32 $0x187600, s1  }
0x9: {  	s9 =	sadd.s32 $0xCF50, s1;
	s10 =	sadd.s32 $0x10024, s1;
	s11 =	sadd.s32 $0x130F8, s1  }
0xa: {  	s12 =	sadd.s32 $0x161CC, s1;
	p0 =	sgt.u32 s19, $0x8;
	s19 =	simm.s32 $0x2  }
0xb: {  	_ =	strace $0x80000047;
	s6 =	ssub.s32 $0x2, s4;
	s14 =	sor.u32 s4, s7  }
0xc: {  	s4 =	sadd.s32 $0xC00, s1;
	s7 =	sadd.s32 $0x6DA8, s1;
	s8 =	sshrl.u32 s6, $0x1  }
0xd: {  	s21 =	sshll.u32 s14, $0x7;
	s22 =	sshll.u32 s14, $0xC;
	s23 =	sshll.u32 s14, $0xA  }
0xe: {  	s17 =	sor.u32 $0x20, s14;
	s16 =	ssub.s32 s6, s8;
	s6 =	sadd.s32 s0, s21  }
0xf: {  	s8 =	sadd.s32 $0x9E7C, s1;
	s13 =	sadd.s32 s5, s22;
	s14 =	sadd.s32 s15, s23  }
0x10: {  	s24 =	sshll.u32 s17, $0x7;
	s18 =	sshll.u32 s17, $0xC;
	s26 =	sshll.u32 s17, $0xA  }
0x11: {  	s21 =	simm.s32 $0x400;
	s23 =	simm.s32 $0x100;
	s17 =	simm.s32 $0x8400  }
0x12: {  	[dreg:$0x5] =	wrdreg s6;
	s6 =	sadd.s32 $0x3CD4, s1;
	s0 =	sadd.s32 s0, s24  }
.Ltmp0:
0x13: {  	s25 =	sadd.s32 s5, s18;
	s18 =	smax.u32 s16, $0x1;
	(pc) =	sbr.rel .LBB2_1-.Ltmp0, $4  }
0x14: {  	s24 =	simm.s32 $0x8F80;
	s1 =	simm.s32 $0x9F80;
	[dreg:$0x6] =	wrdreg s0  }
0x15: {  	s5 =	simm.s32 $0xA380;
	s16 =	simm.s32 $0x1;
	[dreg:$0x7] =	wrdreg s25  }
0x16: {  	s0 =	sadd.s32 s15, s26;
	s25 =	simm.s32 $0x180;
	s15 =	simm.s32 $0x380  }
0x17: {  	s26 =	simm.s32 $0x9380;
	[dreg:$0x8] =	wrdreg s0;
	s0 =	simm.s32 $0x300  }
.LBB2_3:
0x18: {  	s18 =	sadd.s32 $0xFFFFFFFF, s18  }
0x19: {  	p1 =	sne.s32 s18, $0x0  }
.Ltmp1:
0x1a: {  	_ = 	snop;
	(pc) =	sbr.rel @!p1 .LBB2_4-.Ltmp1, $1  }
0x1b: {  	_ =	sdelay $0x3  }
.LBB2_1:
0x1c: {  	s22 =	rddreg [dreg:$0x5]  }
0x1d: {  	[tilespmem:s2], [sflag:$0x2] =	stream.linear.gather [hbm4b:s22+s2], $0x400, $0x38;
	[tilespmem:$0xA400] =	vst v63  }
0x1e: {  	_ =	swait.ge [sflag:s19], $0x400  }
0x1f: {  	[sflag:s19] =	ssyncset.done $0x0  }
0x20: {  	[sflag:s19] =	ssyncadd.s32 $0xFFFFFC00  }
0x21: {  	[tilespmem:s21], [sflag:$0x1] =	stream.indirect.gather [hbm4b:s3+s20], $0x20, s2, s20, $0xb8;
	[tilespmem:$0xA400] =	vst v63  }
0x22: {  	s22 =	simm.s32 $0x1400  }
0x23: {  	[tilespmem:s22], [sflag:$0x1] =	stream.indirect.gather [hbm4b:s3+s20], $0x20, s20, s20, $0xb8;
	[tilespmem:$0xA400] =	vst v63  }
0x24: {  	s22 =	simm.s32 $0x2400  }
0x25: {  	[tilespmem:s22], [sflag:$0x1] =	stream.indirect.gather [hbm4b:s3+s20], $0x20, s23, s20, $0xb8;
	[tilespmem:$0xA400] =	vst v63  }
0x26: {  	s22 =	simm.s32 $0x3400  }
0x27: {  	[tilespmem:s22], [sflag:$0x1] =	stream.indirect.gather [hbm4b:s3+s20], $0x20, s25, s20, $0xb8;
	[tilespmem:$0xA400] =	vst v63  }
0x28: {  	s22 =	simm.s32 $0x4400  }
0x29: {  	[tilespmem:s22], [sflag:$0x1] =	stream.indirect.gather [hbm4b:s3+s20], $0x20, s28, s20, $0xb8;
	[tilespmem:$0xA400] =	vst v63  }
0x2a: {  	s22 =	simm.s32 $0x5400  }
0x2b: {  	[tilespmem:s22], [sflag:$0x1] =	stream.indirect.gather [hbm4b:s3+s20], $0x20, s30, s20, $0xb8;
	[tilespmem:$0xA400] =	vst v63  }
0x2c: {  	s22 =	simm.s32 $0x6400  }
0x2d: {  	[tilespmem:s22], [sflag:$0x1] =	stream.indirect.gather [hbm4b:s3+s20], $0x20, s0, s20, $0xb8;
	[tilespmem:$0xA400] =	vst v63  }
0x2e: {  	s22 =	simm.s32 $0x7400  }
0x2f: {  	[tilespmem:s22], [sflag:$0x1] =	stream.indirect.gather [hbm4b:s3+s20], $0x20, s15, s20, $0xb8;
	[tilespmem:$0xA400] =	vst v63  }
0x30: {  	_ = 	snop  }
0x31: {  	[tilespmem:s17], [sflag:$0x1] =	stream.indirect.gather [hbm4b:s4+s20], $0x1, s2, s20, $0xb8;
	[tilespmem:$0xA400] =	vst v63  }
0x32: {  	s22 =	simm.s32 $0x8800  }
0x33: {  	[tilespmem:s22], [sflag:$0x1] =	stream.indirect.gather [hbm4b:s6+s20], $0x1, s2, s20, $0xb8;
	[tilespmem:$0xA400] =	vst v63  }
0x34: {  	s22 =	simm.s32 $0x8C00  }
0x35: {  	[tilespmem:s22], [sflag:$0x1] =	stream.indirect.gather [hbm4b:s7+s20], $0x1, s2, s20, $0xb8;
	[tilespmem:$0xA400] =	vst v63  }
0x36: {  	s22 =	simm.s32 $0x9000  }
0x37: {  	[tilespmem:s22], [sflag:$0x1] =	stream.indirect.gather [hbm4b:s8+s20], $0x1, s2, s20, $0xb8;
	[tilespmem:$0xA400] =	vst v63  }
0x38: {  	s22 =	simm.s32 $0x9400  }
0x39: {  	[tilespmem:s22], [sflag:$0x1] =	stream.indirect.gather [hbm4b:s9+s20], $0x1, s2, s20, $0xb8;
	[tilespmem:$0xA400] =	vst v63  }
0x3a: {  	s22 =	simm.s32 $0x9800  }
0x3b: {  	[tilespmem:s22], [sflag:$0x1] =	stream.indirect.gather [hbm4b:s10+s20], $0x1, s2, s20, $0xb8;
	[tilespmem:$0xA400] =	vst v63  }
0x3c: {  	s22 =	simm.s32 $0x9C00  }
0x3d: {  	[tilespmem:s22], [sflag:$0x1] =	stream.indirect.gather [hbm4b:s11+s20], $0x1, s2, s20, $0xb8;
	[tilespmem:$0xA400] =	vst v63  }
0x3e: {  	s22 =	simm.s32 $0xA000  }
0x3f: {  	[tilespmem:s22], [sflag:$0x1] =	stream.indirect.gather [hbm4b:s12+s20], $0x1, s2, s20, $0xb8;
	[tilespmem:$0xA400] =	vst v63  }
0x40: {  	s22 =	simm.s32 $0x8480  }
0x41: {  	[tilespmem:s22], [sflag:$0x1] =	stream.indirect.gather [hbm4b:s4+s20], $0x1, s20, s20, $0xb8;
	[tilespmem:$0xA400] =	vst v63  }
0x42: {  	s22 =	simm.s32 $0x8880  }
0x43: {  	[tilespmem:s22], [sflag:$0x1] =	stream.indirect.gather [hbm4b:s6+s20], $0x1, s20, s20, $0xb8;
	[tilespmem:$0xA400] =	vst v63  }
0x44: {  	s22 =	simm.s32 $0x8C80  }
0x45: {  	[tilespmem:s22], [sflag:$0x1] =	stream.indirect.gather [hbm4b:s7+s20], $0x1, s20, s20, $0xb8;
	[tilespmem:$0xA400] =	vst v63  }
0x46: {  	s22 =	simm.s32 $0x9080  }
0x47: {  	[tilespmem:s22], [sflag:$0x1] =	stream.indirect.gather [hbm4b:s8+s20], $0x1, s20, s20, $0xb8;
	[tilespmem:$0xA400] =	vst v63  }
0x48: {  	s22 =	simm.s32 $0x9480  }
0x49: {  	[tilespmem:s22], [sflag:$0x1] =	stream.indirect.gather [hbm4b:s9+s20], $0x1, s20, s20, $0xb8;
	[tilespmem:$0xA400] =	vst v63  }
0x4a: {  	s22 =	simm.s32 $0x9880  }
0x4b: {  	[tilespmem:s22], [sflag:$0x1] =	stream.indirect.gather [hbm4b:s10+s20], $0x1, s20, s20, $0xb8;
	[tilespmem:$0xA400] =	vst v63  }
0x4c: {  	s22 =	simm.s32 $0x9C80  }
0x4d: {  	[tilespmem:s22], [sflag:$0x1] =	stream.indirect.gather [hbm4b:s11+s20], $0x1, s20, s20, $0xb8;
	[tilespmem:$0xA400] =	vst v63  }
0x4e: {  	s22 =	simm.s32 $0xA080  }
0x4f: {  	[tilespmem:s22], [sflag:$0x1] =	stream.indirect.gather [hbm4b:s12+s20], $0x1, s20, s20, $0xb8;
	[tilespmem:$0xA400] =	vst v63  }
0x50: {  	s22 =	simm.s32 $0x8500  }
0x51: {  	[tilespmem:s22], [sflag:$0x1] =	stream.indirect.gather [hbm4b:s4+s20], $0x1, s23, s20, $0xb8;
	[tilespmem:$0xA400] =	vst v63  }
0x52: {  	s22 =	simm.s32 $0x8900  }
0x53: {  	[tilespmem:s22], [sflag:$0x1] =	stream.indirect.gather [hbm4b:s6+s20], $0x1, s23, s20, $0xb8;
	[tilespmem:$0xA400] =	vst v63  }
0x54: {  	s22 =	simm.s32 $0x8D00  }
0x55: {  	[tilespmem:s22], [sflag:$0x1] =	stream.indirect.gather [hbm4b:s7+s20], $0x1, s23, s20, $0xb8;
	[tilespmem:$0xA400] =	vst v63  }
0x56: {  	s22 =	simm.s32 $0x9100  }
0x57: {  	[tilespmem:s22], [sflag:$0x1] =	stream.indirect.gather [hbm4b:s8+s20], $0x1, s23, s20, $0xb8;
	[tilespmem:$0xA400] =	vst v63  }
0x58: {  	s22 =	simm.s32 $0x9500  }
0x59: {  	[tilespmem:s22], [sflag:$0x1] =	stream.indirect.gather [hbm4b:s9+s20], $0x1, s23, s20, $0xb8;
	[tilespmem:$0xA400] =	vst v63  }
0x5a: {  	s22 =	simm.s32 $0x9900  }
0x5b: {  	[tilespmem:s22], [sflag:$0x1] =	stream.indirect.gather [hbm4b:s10+s20], $0x1, s23, s20, $0xb8;
	[tilespmem:$0xA400] =	vst v63  }
0x5c: {  	s22 =	simm.s32 $0x9D00  }
0x5d: {  	[tilespmem:s22], [sflag:$0x1] =	stream.indirect.gather [hbm4b:s11+s20], $0x1, s23, s20, $0xb8;
	[tilespmem:$0xA400] =	vst v63  }
0x5e: {  	s22 =	simm.s32 $0xA100  }
0x5f: {  	[tilespmem:s22], [sflag:$0x1] =	stream.indirect.gather [hbm4b:s12+s20], $0x1, s23, s20, $0xb8;
	[tilespmem:$0xA400] =	vst v63  }
0x60: {  	s22 =	simm.s32 $0x8580  }
0x61: {  	[tilespmem:s22], [sflag:$0x1] =	stream.indirect.gather [hbm4b:s4+s20], $0x1, s25, s20, $0xb8;
	[tilespmem:$0xA400] =	vst v63  }
0x62: {  	s22 =	simm.s32 $0x8980  }
0x63: {  	[tilespmem:s22], [sflag:$0x1] =	stream.indirect.gather [hbm4b:s6+s20], $0x1, s25, s20, $0xb8;
	[tilespmem:$0xA400] =	vst v63  }
0x64: {  	s22 =	simm.s32 $0x8D80  }
0x65: {  	[tilespmem:s22], [sflag:$0x1] =	stream.indirect.gather [hbm4b:s7+s20], $0x1, s25, s20, $0xb8;
	[tilespmem:$0xA400] =	vst v63  }
0x66: {  	s22 =	simm.s32 $0x9180  }
0x67: {  	[tilespmem:s22], [sflag:$0x1] =	stream.indirect.gather [hbm4b:s8+s20], $0x1, s25, s20, $0xb8;
	[tilespmem:$0xA400] =	vst v63  }
0x68: {  	s22 =	simm.s32 $0x9580  }
0x69: {  	[tilespmem:s22], [sflag:$0x1] =	stream.indirect.gather [hbm4b:s9+s20], $0x1, s25, s20, $0xb8;
	[tilespmem:$0xA400] =	vst v63  }
0x6a: {  	s22 =	simm.s32 $0x9980  }
0x6b: {  	[tilespmem:s22], [sflag:$0x1] =	stream.indirect.gather [hbm4b:s10+s20], $0x1, s25, s20, $0xb8;
	[tilespmem:$0xA400] =	vst v63  }
0x6c: {  	s22 =	simm.s32 $0x9D80  }
0x6d: {  	[tilespmem:s22], [sflag:$0x1] =	stream.indirect.gather [hbm4b:s11+s20], $0x1, s25, s20, $0xb8;
	[tilespmem:$0xA400] =	vst v63  }
0x6e: {  	s22 =	simm.s32 $0xA180  }
0x6f: {  	[tilespmem:s22], [sflag:$0x1] =	stream.indirect.gather [hbm4b:s12+s20], $0x1, s25, s20, $0xb8;
	[tilespmem:$0xA400] =	vst v63  }
0x70: {  	s22 =	simm.s32 $0x8600  }
0x71: {  	[tilespmem:s22], [sflag:$0x1] =	stream.indirect.gather [hbm4b:s4+s20], $0x1, s28, s20, $0xb8;
	[tilespmem:$0xA400] =	vst v63  }
0x72: {  	s22 =	simm.s32 $0x8A00  }
0x73: {  	[tilespmem:s22], [sflag:$0x1] =	stream.indirect.gather [hbm4b:s6+s20], $0x1, s28, s20, $0xb8;
	[tilespmem:$0xA400] =	vst v63  }
0x74: {  	s22 =	simm.s32 $0x8E00  }
0x75: {  	[tilespmem:s22], [sflag:$0x1] =	stream.indirect.gather [hbm4b:s7+s20], $0x1, s28, s20, $0xb8;
	[tilespmem:$0xA400] =	vst v63  }
0x76: {  	s22 =	simm.s32 $0x9200  }
0x77: {  	[tilespmem:s22], [sflag:$0x1] =	stream.indirect.gather [hbm4b:s8+s20], $0x1, s28, s20, $0xb8;
	[tilespmem:$0xA400] =	vst v63  }
0x78: {  	s22 =	simm.s32 $0x9600  }
0x79: {  	[tilespmem:s22], [sflag:$0x1] =	stream.indirect.gather [hbm4b:s9+s20], $0x1, s28, s20, $0xb8;
	[tilespmem:$0xA400] =	vst v63  }
0x7a: {  	s22 =	simm.s32 $0x9A00  }
0x7b: {  	[tilespmem:s22], [sflag:$0x1] =	stream.indirect.gather [hbm4b:s10+s20], $0x1, s28, s20, $0xb8;
	[tilespmem:$0xA400] =	vst v63  }
0x7c: {  	s22 =	simm.s32 $0x9E00  }
0x7d: {  	[tilespmem:s22], [sflag:$0x1] =	stream.indirect.gather [hbm4b:s11+s20], $0x1, s28, s20, $0xb8;
	[tilespmem:$0xA400] =	vst v63  }
0x7e: {  	s22 =	simm.s32 $0xA200  }
0x7f: {  	[tilespmem:s22], [sflag:$0x1] =	stream.indirect.gather [hbm4b:s12+s20], $0x1, s28, s20, $0xb8;
	[tilespmem:$0xA400] =	vst v63  }
0x80: {  	s22 =	simm.s32 $0x8680  }
0x81: {  	[tilespmem:s22], [sflag:$0x1] =	stream.indirect.gather [hbm4b:s4+s20], $0x1, s30, s20, $0xb8;
	[tilespmem:$0xA400] =	vst v63  }
0x82: {  	s22 =	simm.s32 $0x8A80  }
0x83: {  	[tilespmem:s22], [sflag:$0x1] =	stream.indirect.gather [hbm4b:s6+s20], $0x1, s30, s20, $0xb8;
	[tilespmem:$0xA400] =	vst v63  }
0x84: {  	s22 =	simm.s32 $0x8E80  }
0x85: {  	[tilespmem:s22], [sflag:$0x1] =	stream.indirect.gather [hbm4b:s7+s20], $0x1, s30, s20, $0xb8;
	[tilespmem:$0xA400] =	vst v63  }
0x86: {  	s22 =	simm.s32 $0x9280  }
0x87: {  	[tilespmem:s22], [sflag:$0x1] =	stream.indirect.gather [hbm4b:s8+s20], $0x1, s30, s20, $0xb8;
	[tilespmem:$0xA400] =	vst v63  }
0x88: {  	s22 =	simm.s32 $0x9680  }
0x89: {  	[tilespmem:s22], [sflag:$0x1] =	stream.indirect.gather [hbm4b:s9+s20], $0x1, s30, s20, $0xb8;
	[tilespmem:$0xA400] =	vst v63  }
0x8a: {  	s22 =	simm.s32 $0x9A80  }
0x8b: {  	[tilespmem:s22], [sflag:$0x1] =	stream.indirect.gather [hbm4b:s10+s20], $0x1, s30, s20, $0xb8;
	[tilespmem:$0xA400] =	vst v63  }
0x8c: {  	s22 =	simm.s32 $0x9E80  }
0x8d: {  	[tilespmem:s22], [sflag:$0x1] =	stream.indirect.gather [hbm4b:s11+s20], $0x1, s30, s20, $0xb8;
	[tilespmem:$0xA400] =	vst v63  }
0x8e: {  	s22 =	simm.s32 $0xA280  }
0x8f: {  	[tilespmem:s22], [sflag:$0x1] =	stream.indirect.gather [hbm4b:s12+s20], $0x1, s30, s20, $0xb8;
	[tilespmem:$0xA400] =	vst v63  }
0x90: {  	s22 =	simm.s32 $0x8700  }
0x91: {  	[tilespmem:s22], [sflag:$0x1] =	stream.indirect.gather [hbm4b:s4+s20], $0x1, s0, s20, $0xb8;
	[tilespmem:$0xA400] =	vst v63  }
0x92: {  	s22 =	simm.s32 $0x8B00  }
0x93: {  	[tilespmem:s22], [sflag:$0x1] =	stream.indirect.gather [hbm4b:s6+s20], $0x1, s0, s20, $0xb8;
	[tilespmem:$0xA400] =	vst v63  }
0x94: {  	s22 =	simm.s32 $0x8F00  }
0x95: {  	[tilespmem:s22], [sflag:$0x1] =	stream.indirect.gather [hbm4b:s7+s20], $0x1, s0, s20, $0xb8;
	[tilespmem:$0xA400] =	vst v63  }
0x96: {  	s22 =	simm.s32 $0x9300  }
0x97: {  	[tilespmem:s22], [sflag:$0x1] =	stream.indirect.gather [hbm4b:s8+s20], $0x1, s0, s20, $0xb8;
	[tilespmem:$0xA400] =	vst v63  }
0x98: {  	s22 =	simm.s32 $0x9700  }
0x99: {  	[tilespmem:s22], [sflag:$0x1] =	stream.indirect.gather [hbm4b:s9+s20], $0x1, s0, s20, $0xb8;
	[tilespmem:$0xA400] =	vst v63  }
0x9a: {  	s22 =	simm.s32 $0x9B00  }
0x9b: {  	[tilespmem:s22], [sflag:$0x1] =	stream.indirect.gather [hbm4b:s10+s20], $0x1, s0, s20, $0xb8;
	[tilespmem:$0xA400] =	vst v63  }
0x9c: {  	s22 =	simm.s32 $0x9F00  }
0x9d: {  	[tilespmem:s22], [sflag:$0x1] =	stream.indirect.gather [hbm4b:s11+s20], $0x1, s0, s20, $0xb8;
	[tilespmem:$0xA400] =	vst v63  }
0x9e: {  	s22 =	simm.s32 $0xA300  }
0x9f: {  	[tilespmem:s22], [sflag:$0x1] =	stream.indirect.gather [hbm4b:s12+s20], $0x1, s0, s20, $0xb8;
	[tilespmem:$0xA400] =	vst v63  }
0xa0: {  	s22 =	simm.s32 $0x8780  }
0xa1: {  	[tilespmem:s22], [sflag:$0x1] =	stream.indirect.gather [hbm4b:s4+s20], $0x1, s15, s20, $0xb8;
	[tilespmem:$0xA400] =	vst v63  }
0xa2: {  	s22 =	simm.s32 $0x8B80  }
0xa3: {  	[tilespmem:s22], [sflag:$0x1] =	stream.indirect.gather [hbm4b:s6+s20], $0x1, s15, s20, $0xb8;
	[tilespmem:$0xA400] =	vst v63  }
0xa4: {  	_ = 	snop  }
0xa5: {  	[tilespmem:s24], [sflag:$0x1] =	stream.indirect.gather [hbm4b:s7+s20], $0x1, s15, s20, $0xb8;
	[tilespmem:$0xA400] =	vst v63  }
0xa6: {  	_ = 	snop  }
0xa7: {  	[tilespmem:s26], [sflag:$0x1] =	stream.indirect.gather [hbm4b:s8+s20], $0x1, s15, s20, $0xb8;
	[tilespmem:$0xA400] =	vst v63  }
0xa8: {  	_ = 	snop  }
0xa9: {  	[tilespmem:s29], [sflag:$0x1] =	stream.indirect.gather [hbm4b:s9+s20], $0x1, s15, s20, $0xb8;
	[tilespmem:$0xA400] =	vst v63  }
0xaa: {  	_ = 	snop  }
0xab: {  	[tilespmem:s31], [sflag:$0x1] =	stream.indirect.gather [hbm4b:s10+s20], $0x1, s15, s20, $0xb8;
	[tilespmem:$0xA400] =	vst v63  }
0xac: {  	_ = 	snop  }
0xad: {  	[tilespmem:s1], [sflag:$0x1] =	stream.indirect.gather [hbm4b:s11+s20], $0x1, s15, s20, $0xb8;
	[tilespmem:$0xA400] =	vst v63  }
0xae: {  	_ = 	snop  }
0xaf: {  	[tilespmem:s5], [sflag:$0x1] =	stream.indirect.gather [hbm4b:s12+s20], $0x1, s15, s20, $0xb8;
	[tilespmem:$0xA400] =	vst v63  }
0xb0: {  	_ =	swait.ge [sflag:s16], $0x1000  }
0xb1: {  	[sflag:s16] =	ssyncset.done $0x0  }
0xb2: {  	[sflag:s16] =	ssyncadd.s32 $0xFFFFF000  }
0xb3: {  	_ =	swait.ge [sflag:s16], $0x1000  }
0xb4: {  	[sflag:s16] =	ssyncset.done $0x0  }
0xb5: {  	[sflag:s16] =	ssyncadd.s32 $0xFFFFF000  }
0xb6: {  	_ =	swait.ge [sflag:s16], $0x1000  }
0xb7: {  	[sflag:s16] =	ssyncset.done $0x0  }
0xb8: {  	[sflag:s16] =	ssyncadd.s32 $0xFFFFF000  }
0xb9: {  	_ =	swait.ge [sflag:s16], $0x1000  }
0xba: {  	[sflag:s16] =	ssyncset.done $0x0  }
0xbb: {  	[sflag:s16] =	ssyncadd.s32 $0xFFFFF000  }
0xbc: {  	_ =	swait.ge [sflag:s16], $0x1000  }
0xbd: {  	[sflag:s16] =	ssyncset.done $0x0  }
0xbe: {  	[sflag:s16] =	ssyncadd.s32 $0xFFFFF000  }
0xbf: {  	_ =	swait.ge [sflag:s16], $0x1000  }
0xc0: {  	[sflag:s16] =	ssyncset.done $0x0  }
0xc1: {  	[sflag:s16] =	ssyncadd.s32 $0xFFFFF000  }
0xc2: {  	_ =	swait.ge [sflag:s16], $0x1000  }
0xc3: {  	[sflag:s16] =	ssyncset.done $0x0  }
0xc4: {  	[sflag:s16] =	ssyncadd.s32 $0xFFFFF000  }
0xc5: {  	_ =	swait.ge [sflag:s16], $0x1000  }
0xc6: {  	[sflag:s16] =	ssyncset.done $0x0  }
0xc7: {  	[sflag:s16] =	ssyncadd.s32 $0xFFFFF000  }
0xc8: {  	_ =	swait.ge [sflag:s16], $0x2000  }
0xc9: {  	[sflag:s16] =	ssyncset.done $0x0  }
0xca: {  	[sflag:s16] =	ssyncadd.s32 $0xFFFFE000  }
0xcb: {  	[hbm4b:s13+s2] =	stream.linear.scatter [tilespmem:s21], [sflag:$0x2], $0x8000, $0x38;
	[tilespmem:$0xA400] =	vst v63  }
0xcc: {  	_ =	swait.ge [sflag:s19], $0x8000  }
0xcd: {  	[sflag:s19] =	ssyncset.done $0x0  }
.Ltmp2:
0xce: {  	[sflag:s19] =	ssyncadd.s32 $0xFFFF8000;
	(pc) =	sbr.rel @p0 .LBB2_3-.Ltmp2, $4  }
0xcf: {  	[hbm4b:s14+s2] =	stream.linear.scatter [tilespmem:s17], [sflag:$0x2], $0x2000, $0x38;
	[tilespmem:$0xA400] =	vst v63  }
0xd0: {  	_ =	swait.ge [sflag:s19], $0x2000  }
0xd1: {  	[sflag:s19] =	ssyncset.done $0x0  }
0xd2: {  	[sflag:s19] =	ssyncadd.s32 $0xFFFFE000  }
0xd3: {  	s22 =	rddreg [dreg:$0x6]  }
0xd4: {  	[tilespmem:s2], [sflag:$0x2] =	stream.linear.gather [hbm4b:s22+s2], $0x400, $0x38;
	[tilespmem:$0xA400] =	vst v63  }
0xd5: {  	_ =	swait.ge [sflag:s19], $0x400  }
0xd6: {  	[sflag:s19] =	ssyncset.done $0x0  }
0xd7: {  	[sflag:s19] =	ssyncadd.s32 $0xFFFFFC00  }
0xd8: {  	[tilespmem:s21], [sflag:$0x1] =	stream.indirect.gather [hbm4b:s3+s20], $0x20, s2, s20, $0xb8;
	[tilespmem:$0xA400] =	vst v63  }
0xd9: {  	s22 =	simm.s32 $0x1400  }
0xda: {  	[tilespmem:s22], [sflag:$0x1] =	stream.indirect.gather [hbm4b:s3+s20], $0x20, s20, s20, $0xb8;
	[tilespmem:$0xA400] =	vst v63  }
0xdb: {  	s22 =	simm.s32 $0x2400  }
0xdc: {  	[tilespmem:s22], [sflag:$0x1] =	stream.indirect.gather [hbm4b:s3+s20], $0x20, s23, s20, $0xb8;
	[tilespmem:$0xA400] =	vst v63  }
0xdd: {  	s22 =	simm.s32 $0x3400  }
0xde: {  	[tilespmem:s22], [sflag:$0x1] =	stream.indirect.gather [hbm4b:s3+s20], $0x20, s25, s20, $0xb8;
	[tilespmem:$0xA400] =	vst v63  }
0xdf: {  	s22 =	simm.s32 $0x4400  }
0xe0: {  	[tilespmem:s22], [sflag:$0x1] =	stream.indirect.gather [hbm4b:s3+s20], $0x20, s28, s20, $0xb8;
	[tilespmem:$0xA400] =	vst v63  }
0xe1: {  	s22 =	simm.s32 $0x5400  }
0xe2: {  	[tilespmem:s22], [sflag:$0x1] =	stream.indirect.gather [hbm4b:s3+s20], $0x20, s30, s20, $0xb8;
	[tilespmem:$0xA400] =	vst v63  }
0xe3: {  	s22 =	simm.s32 $0x6400  }
0xe4: {  	[tilespmem:s22], [sflag:$0x1] =	stream.indirect.gather [hbm4b:s3+s20], $0x20, s0, s20, $0xb8;
	[tilespmem:$0xA400] =	vst v63  }
0xe5: {  	s22 =	simm.s32 $0x7400  }
0xe6: {  	[tilespmem:s22], [sflag:$0x1] =	stream.indirect.gather [hbm4b:s3+s20], $0x20, s15, s20, $0xb8;
	[tilespmem:$0xA400] =	vst v63  }
0xe7: {  	_ = 	snop  }
0xe8: {  	[tilespmem:s17], [sflag:$0x1] =	stream.indirect.gather [hbm4b:s4+s20], $0x1, s2, s20, $0xb8;
	[tilespmem:$0xA400] =	vst v63  }
0xe9: {  	s22 =	simm.s32 $0x8800  }
0xea: {  	[tilespmem:s22], [sflag:$0x1] =	stream.indirect.gather [hbm4b:s6+s20], $0x1, s2, s20, $0xb8;
	[tilespmem:$0xA400] =	vst v63  }
0xeb: {  	s22 =	simm.s32 $0x8C00  }
0xec: {  	[tilespmem:s22], [sflag:$0x1] =	stream.indirect.gather [hbm4b:s7+s20], $0x1, s2, s20, $0xb8;
	[tilespmem:$0xA400] =	vst v63  }
0xed: {  	s22 =	simm.s32 $0x9000  }
0xee: {  	[tilespmem:s22], [sflag:$0x1] =	stream.indirect.gather [hbm4b:s8+s20], $0x1, s2, s20, $0xb8;
	[tilespmem:$0xA400] =	vst v63  }
0xef: {  	s22 =	simm.s32 $0x9400  }
0xf0: {  	[tilespmem:s22], [sflag:$0x1] =	stream.indirect.gather [hbm4b:s9+s20], $0x1, s2, s20, $0xb8;
	[tilespmem:$0xA400] =	vst v63  }
0xf1: {  	s22 =	simm.s32 $0x9800  }
0xf2: {  	[tilespmem:s22], [sflag:$0x1] =	stream.indirect.gather [hbm4b:s10+s20], $0x1, s2, s20, $0xb8;
	[tilespmem:$0xA400] =	vst v63  }
0xf3: {  	s22 =	simm.s32 $0x9C00  }
0xf4: {  	[tilespmem:s22], [sflag:$0x1] =	stream.indirect.gather [hbm4b:s11+s20], $0x1, s2, s20, $0xb8;
	[tilespmem:$0xA400] =	vst v63  }
0xf5: {  	s22 =	simm.s32 $0xA000  }
0xf6: {  	[tilespmem:s22], [sflag:$0x1] =	stream.indirect.gather [hbm4b:s12+s20], $0x1, s2, s20, $0xb8;
	[tilespmem:$0xA400] =	vst v63  }
0xf7: {  	s22 =	simm.s32 $0x8480  }
0xf8: {  	[tilespmem:s22], [sflag:$0x1] =	stream.indirect.gather [hbm4b:s4+s20], $0x1, s20, s20, $0xb8;
	[tilespmem:$0xA400] =	vst v63  }
0xf9: {  	s22 =	simm.s32 $0x8880  }
0xfa: {  	[tilespmem:s22], [sflag:$0x1] =	stream.indirect.gather [hbm4b:s6+s20], $0x1, s20, s20, $0xb8;
	[tilespmem:$0xA400] =	vst v63  }
0xfb: {  	s22 =	simm.s32 $0x8C80  }
0xfc: {  	[tilespmem:s22], [sflag:$0x1] =	stream.indirect.gather [hbm4b:s7+s20], $0x1, s20, s20, $0xb8;
	[tilespmem:$0xA400] =	vst v63  }
0xfd: {  	s22 =	simm.s32 $0x9080  }
0xfe: {  	[tilespmem:s22], [sflag:$0x1] =	stream.indirect.gather [hbm4b:s8+s20], $0x1, s20, s20, $0xb8;
	[tilespmem:$0xA400] =	vst v63  }
0xff: {  	s22 =	simm.s32 $0x9480  }
0x100: {  	[tilespmem:s22], [sflag:$0x1] =	stream.indirect.gather [hbm4b:s9+s20], $0x1, s20, s20, $0xb8;
	[tilespmem:$0xA400] =	vst v63  }
0x101: {  	s22 =	simm.s32 $0x9880  }
0x102: {  	[tilespmem:s22], [sflag:$0x1] =	stream.indirect.gather [hbm4b:s10+s20], $0x1, s20, s20, $0xb8;
	[tilespmem:$0xA400] =	vst v63  }
0x103: {  	s22 =	simm.s32 $0x9C80  }
0x104: {  	[tilespmem:s22], [sflag:$0x1] =	stream.indirect.gather [hbm4b:s11+s20], $0x1, s20, s20, $0xb8;
	[tilespmem:$0xA400] =	vst v63  }
0x105: {  	s22 =	simm.s32 $0xA080  }
0x106: {  	[tilespmem:s22], [sflag:$0x1] =	stream.indirect.gather [hbm4b:s12+s20], $0x1, s20, s20, $0xb8;
	[tilespmem:$0xA400] =	vst v63  }
0x107: {  	s22 =	simm.s32 $0x8500  }
0x108: {  	[tilespmem:s22], [sflag:$0x1] =	stream.indirect.gather [hbm4b:s4+s20], $0x1, s23, s20, $0xb8;
	[tilespmem:$0xA400] =	vst v63  }
0x109: {  	s22 =	simm.s32 $0x8900  }
0x10a: {  	[tilespmem:s22], [sflag:$0x1] =	stream.indirect.gather [hbm4b:s6+s20], $0x1, s23, s20, $0xb8;
	[tilespmem:$0xA400] =	vst v63  }
0x10b: {  	s22 =	simm.s32 $0x8D00  }
0x10c: {  	[tilespmem:s22], [sflag:$0x1] =	stream.indirect.gather [hbm4b:s7+s20], $0x1, s23, s20, $0xb8;
	[tilespmem:$0xA400] =	vst v63  }
0x10d: {  	s22 =	simm.s32 $0x9100  }
0x10e: {  	[tilespmem:s22], [sflag:$0x1] =	stream.indirect.gather [hbm4b:s8+s20], $0x1, s23, s20, $0xb8;
	[tilespmem:$0xA400] =	vst v63  }
0x10f: {  	s22 =	simm.s32 $0x9500  }
0x110: {  	[tilespmem:s22], [sflag:$0x1] =	stream.indirect.gather [hbm4b:s9+s20], $0x1, s23, s20, $0xb8;
	[tilespmem:$0xA400] =	vst v63  }
0x111: {  	s22 =	simm.s32 $0x9900  }
0x112: {  	[tilespmem:s22], [sflag:$0x1] =	stream.indirect.gather [hbm4b:s10+s20], $0x1, s23, s20, $0xb8;
	[tilespmem:$0xA400] =	vst v63  }
0x113: {  	s22 =	simm.s32 $0x9D00  }
0x114: {  	[tilespmem:s22], [sflag:$0x1] =	stream.indirect.gather [hbm4b:s11+s20], $0x1, s23, s20, $0xb8;
	[tilespmem:$0xA400] =	vst v63  }
0x115: {  	s22 =	simm.s32 $0xA100  }
0x116: {  	[tilespmem:s22], [sflag:$0x1] =	stream.indirect.gather [hbm4b:s12+s20], $0x1, s23, s20, $0xb8;
	[tilespmem:$0xA400] =	vst v63  }
0x117: {  	s22 =	simm.s32 $0x8580  }
0x118: {  	[tilespmem:s22], [sflag:$0x1] =	stream.indirect.gather [hbm4b:s4+s20], $0x1, s25, s20, $0xb8;
	[tilespmem:$0xA400] =	vst v63  }
0x119: {  	s22 =	simm.s32 $0x8980  }
0x11a: {  	[tilespmem:s22], [sflag:$0x1] =	stream.indirect.gather [hbm4b:s6+s20], $0x1, s25, s20, $0xb8;
	[tilespmem:$0xA400] =	vst v63  }
0x11b: {  	s22 =	simm.s32 $0x8D80  }
0x11c: {  	[tilespmem:s22], [sflag:$0x1] =	stream.indirect.gather [hbm4b:s7+s20], $0x1, s25, s20, $0xb8;
	[tilespmem:$0xA400] =	vst v63  }
0x11d: {  	s22 =	simm.s32 $0x9180  }
0x11e: {  	[tilespmem:s22], [sflag:$0x1] =	stream.indirect.gather [hbm4b:s8+s20], $0x1, s25, s20, $0xb8;
	[tilespmem:$0xA400] =	vst v63  }
0x11f: {  	s22 =	simm.s32 $0x9580  }
0x120: {  	[tilespmem:s22], [sflag:$0x1] =	stream.indirect.gather [hbm4b:s9+s20], $0x1, s25, s20, $0xb8;
	[tilespmem:$0xA400] =	vst v63  }
0x121: {  	s22 =	simm.s32 $0x9980  }
0x122: {  	[tilespmem:s22], [sflag:$0x1] =	stream.indirect.gather [hbm4b:s10+s20], $0x1, s25, s20, $0xb8;
	[tilespmem:$0xA400] =	vst v63  }
0x123: {  	s22 =	simm.s32 $0x9D80  }
0x124: {  	[tilespmem:s22], [sflag:$0x1] =	stream.indirect.gather [hbm4b:s11+s20], $0x1, s25, s20, $0xb8;
	[tilespmem:$0xA400] =	vst v63  }
0x125: {  	s22 =	simm.s32 $0xA180  }
0x126: {  	[tilespmem:s22], [sflag:$0x1] =	stream.indirect.gather [hbm4b:s12+s20], $0x1, s25, s20, $0xb8;
	[tilespmem:$0xA400] =	vst v63  }
0x127: {  	s22 =	simm.s32 $0x8600  }
0x128: {  	[tilespmem:s22], [sflag:$0x1] =	stream.indirect.gather [hbm4b:s4+s20], $0x1, s28, s20, $0xb8;
	[tilespmem:$0xA400] =	vst v63  }
0x129: {  	s22 =	simm.s32 $0x8A00  }
0x12a: {  	[tilespmem:s22], [sflag:$0x1] =	stream.indirect.gather [hbm4b:s6+s20], $0x1, s28, s20, $0xb8;
	[tilespmem:$0xA400] =	vst v63  }
0x12b: {  	s22 =	simm.s32 $0x8E00  }
0x12c: {  	[tilespmem:s22], [sflag:$0x1] =	stream.indirect.gather [hbm4b:s7+s20], $0x1, s28, s20, $0xb8;
	[tilespmem:$0xA400] =	vst v63  }
0x12d: {  	s22 =	simm.s32 $0x9200  }
0x12e: {  	[tilespmem:s22], [sflag:$0x1] =	stream.indirect.gather [hbm4b:s8+s20], $0x1, s28, s20, $0xb8;
	[tilespmem:$0xA400] =	vst v63  }
0x12f: {  	s22 =	simm.s32 $0x9600  }
0x130: {  	[tilespmem:s22], [sflag:$0x1] =	stream.indirect.gather [hbm4b:s9+s20], $0x1, s28, s20, $0xb8;
	[tilespmem:$0xA400] =	vst v63  }
0x131: {  	s22 =	simm.s32 $0x9A00  }
0x132: {  	[tilespmem:s22], [sflag:$0x1] =	stream.indirect.gather [hbm4b:s10+s20], $0x1, s28, s20, $0xb8;
	[tilespmem:$0xA400] =	vst v63  }
0x133: {  	s22 =	simm.s32 $0x9E00  }
0x134: {  	[tilespmem:s22], [sflag:$0x1] =	stream.indirect.gather [hbm4b:s11+s20], $0x1, s28, s20, $0xb8;
	[tilespmem:$0xA400] =	vst v63  }
0x135: {  	s22 =	simm.s32 $0xA200  }
0x136: {  	[tilespmem:s22], [sflag:$0x1] =	stream.indirect.gather [hbm4b:s12+s20], $0x1, s28, s20, $0xb8;
	[tilespmem:$0xA400] =	vst v63  }
0x137: {  	s22 =	simm.s32 $0x8680  }
0x138: {  	[tilespmem:s22], [sflag:$0x1] =	stream.indirect.gather [hbm4b:s4+s20], $0x1, s30, s20, $0xb8;
	[tilespmem:$0xA400] =	vst v63  }
0x139: {  	s22 =	simm.s32 $0x8A80  }
0x13a: {  	[tilespmem:s22], [sflag:$0x1] =	stream.indirect.gather [hbm4b:s6+s20], $0x1, s30, s20, $0xb8;
	[tilespmem:$0xA400] =	vst v63  }
0x13b: {  	s22 =	simm.s32 $0x8E80  }
0x13c: {  	[tilespmem:s22], [sflag:$0x1] =	stream.indirect.gather [hbm4b:s7+s20], $0x1, s30, s20, $0xb8;
	[tilespmem:$0xA400] =	vst v63  }
0x13d: {  	s22 =	simm.s32 $0x9280  }
0x13e: {  	[tilespmem:s22], [sflag:$0x1] =	stream.indirect.gather [hbm4b:s8+s20], $0x1, s30, s20, $0xb8;
	[tilespmem:$0xA400] =	vst v63  }
0x13f: {  	s22 =	simm.s32 $0x9680  }
0x140: {  	[tilespmem:s22], [sflag:$0x1] =	stream.indirect.gather [hbm4b:s9+s20], $0x1, s30, s20, $0xb8;
	[tilespmem:$0xA400] =	vst v63  }
0x141: {  	s22 =	simm.s32 $0x9A80  }
0x142: {  	[tilespmem:s22], [sflag:$0x1] =	stream.indirect.gather [hbm4b:s10+s20], $0x1, s30, s20, $0xb8;
	[tilespmem:$0xA400] =	vst v63  }
0x143: {  	s22 =	simm.s32 $0x9E80  }
0x144: {  	[tilespmem:s22], [sflag:$0x1] =	stream.indirect.gather [hbm4b:s11+s20], $0x1, s30, s20, $0xb8;
	[tilespmem:$0xA400] =	vst v63  }
0x145: {  	s22 =	simm.s32 $0xA280  }
0x146: {  	[tilespmem:s22], [sflag:$0x1] =	stream.indirect.gather [hbm4b:s12+s20], $0x1, s30, s20, $0xb8;
	[tilespmem:$0xA400] =	vst v63  }
0x147: {  	s22 =	simm.s32 $0x8700  }
0x148: {  	[tilespmem:s22], [sflag:$0x1] =	stream.indirect.gather [hbm4b:s4+s20], $0x1, s0, s20, $0xb8;
	[tilespmem:$0xA400] =	vst v63  }
0x149: {  	s22 =	simm.s32 $0x8B00  }
0x14a: {  	[tilespmem:s22], [sflag:$0x1] =	stream.indirect.gather [hbm4b:s6+s20], $0x1, s0, s20, $0xb8;
	[tilespmem:$0xA400] =	vst v63  }
0x14b: {  	s22 =	simm.s32 $0x8F00  }
0x14c: {  	[tilespmem:s22], [sflag:$0x1] =	stream.indirect.gather [hbm4b:s7+s20], $0x1, s0, s20, $0xb8;
	[tilespmem:$0xA400] =	vst v63  }
0x14d: {  	s22 =	simm.s32 $0x9300  }
0x14e: {  	[tilespmem:s22], [sflag:$0x1] =	stream.indirect.gather [hbm4b:s8+s20], $0x1, s0, s20, $0xb8;
	[tilespmem:$0xA400] =	vst v63  }
0x14f: {  	s22 =	simm.s32 $0x9700  }
0x150: {  	[tilespmem:s22], [sflag:$0x1] =	stream.indirect.gather [hbm4b:s9+s20], $0x1, s0, s20, $0xb8;
	[tilespmem:$0xA400] =	vst v63  }
0x151: {  	s22 =	simm.s32 $0x9B00  }
0x152: {  	[tilespmem:s22], [sflag:$0x1] =	stream.indirect.gather [hbm4b:s10+s20], $0x1, s0, s20, $0xb8;
	[tilespmem:$0xA400] =	vst v63  }
0x153: {  	s22 =	simm.s32 $0x9F00  }
0x154: {  	[tilespmem:s22], [sflag:$0x1] =	stream.indirect.gather [hbm4b:s11+s20], $0x1, s0, s20, $0xb8;
	[tilespmem:$0xA400] =	vst v63  }
0x155: {  	s22 =	simm.s32 $0xA300  }
0x156: {  	[tilespmem:s22], [sflag:$0x1] =	stream.indirect.gather [hbm4b:s12+s20], $0x1, s0, s20, $0xb8;
	[tilespmem:$0xA400] =	vst v63  }
0x157: {  	s22 =	simm.s32 $0x8780  }
0x158: {  	[tilespmem:s22], [sflag:$0x1] =	stream.indirect.gather [hbm4b:s4+s20], $0x1, s15, s20, $0xb8;
	[tilespmem:$0xA400] =	vst v63  }
0x159: {  	s22 =	simm.s32 $0x8B80  }
0x15a: {  	[tilespmem:s22], [sflag:$0x1] =	stream.indirect.gather [hbm4b:s6+s20], $0x1, s15, s20, $0xb8;
	[tilespmem:$0xA400] =	vst v63  }
0x15b: {  	_ = 	snop  }
0x15c: {  	[tilespmem:s24], [sflag:$0x1] =	stream.indirect.gather [hbm4b:s7+s20], $0x1, s15, s20, $0xb8;
	[tilespmem:$0xA400] =	vst v63  }
0x15d: {  	_ = 	snop  }
0x15e: {  	[tilespmem:s26], [sflag:$0x1] =	stream.indirect.gather [hbm4b:s8+s20], $0x1, s15, s20, $0xb8;
	[tilespmem:$0xA400] =	vst v63  }
0x15f: {  	_ = 	snop  }
0x160: {  	[tilespmem:s29], [sflag:$0x1] =	stream.indirect.gather [hbm4b:s9+s20], $0x1, s15, s20, $0xb8;
	[tilespmem:$0xA400] =	vst v63  }
0x161: {  	_ = 	snop  }
0x162: {  	[tilespmem:s31], [sflag:$0x1] =	stream.indirect.gather [hbm4b:s10+s20], $0x1, s15, s20, $0xb8;
	[tilespmem:$0xA400] =	vst v63  }
0x163: {  	_ = 	snop  }
0x164: {  	[tilespmem:s1], [sflag:$0x1] =	stream.indirect.gather [hbm4b:s11+s20], $0x1, s15, s20, $0xb8;
	[tilespmem:$0xA400] =	vst v63  }
0x165: {  	_ = 	snop  }
0x166: {  	[tilespmem:s5], [sflag:$0x1] =	stream.indirect.gather [hbm4b:s12+s20], $0x1, s15, s20, $0xb8;
	[tilespmem:$0xA400] =	vst v63  }
0x167: {  	_ =	swait.ge [sflag:s16], $0x1000  }
0x168: {  	[sflag:s16] =	ssyncset.done $0x0  }
0x169: {  	[sflag:s16] =	ssyncadd.s32 $0xFFFFF000  }
0x16a: {  	_ =	swait.ge [sflag:s16], $0x1000  }
0x16b: {  	[sflag:s16] =	ssyncset.done $0x0  }
0x16c: {  	[sflag:s16] =	ssyncadd.s32 $0xFFFFF000  }
0x16d: {  	_ =	swait.ge [sflag:s16], $0x1000  }
0x16e: {  	[sflag:s16] =	ssyncset.done $0x0  }
0x16f: {  	[sflag:s16] =	ssyncadd.s32 $0xFFFFF000  }
0x170: {  	_ =	swait.ge [sflag:s16], $0x1000  }
0x171: {  	[sflag:s16] =	ssyncset.done $0x0  }
0x172: {  	[sflag:s16] =	ssyncadd.s32 $0xFFFFF000  }
0x173: {  	_ =	swait.ge [sflag:s16], $0x1000  }
0x174: {  	[sflag:s16] =	ssyncset.done $0x0  }
0x175: {  	[sflag:s16] =	ssyncadd.s32 $0xFFFFF000  }
0x176: {  	_ =	swait.ge [sflag:s16], $0x1000  }
0x177: {  	[sflag:s16] =	ssyncset.done $0x0  }
0x178: {  	[sflag:s16] =	ssyncadd.s32 $0xFFFFF000  }
0x179: {  	_ =	swait.ge [sflag:s16], $0x1000  }
0x17a: {  	[sflag:s16] =	ssyncset.done $0x0  }
0x17b: {  	[sflag:s16] =	ssyncadd.s32 $0xFFFFF000  }
0x17c: {  	_ =	swait.ge [sflag:s16], $0x1000  }
0x17d: {  	[sflag:s16] =	ssyncset.done $0x0  }
0x17e: {  	[sflag:s16] =	ssyncadd.s32 $0xFFFFF000  }
0x17f: {  	_ =	swait.ge [sflag:s16], $0x2000  }
0x180: {  	[sflag:s16] =	ssyncset.done $0x0  }
0x181: {  	s22 =	rddreg [dreg:$0x7];
	[sflag:s16] =	ssyncadd.s32 $0xFFFFE000  }
0x182: {  	[hbm4b:s22+s2] =	stream.linear.scatter [tilespmem:s21], [sflag:$0x2], $0x8000, $0x38;
	[tilespmem:$0xA400] =	vst v63  }
0x183: {  	_ =	swait.ge [sflag:s19], $0x8000  }
0x184: {  	[sflag:s19] =	ssyncset.done $0x0  }
.Ltmp3:
0x185: {  	s22 =	rddreg [dreg:$0x8];
	[sflag:s19] =	ssyncadd.s32 $0xFFFF8000;
	(pc) =	sbr.rel .LBB2_3-.Ltmp3, $4  }
0x186: {  	[hbm4b:s22+s2] =	stream.linear.scatter [tilespmem:s17], [sflag:$0x2], $0x2000, $0x38;
	[tilespmem:$0xA400] =	vst v63  }
0x187: {  	_ =	swait.ge [sflag:s19], $0x2000  }
0x188: {  	[sflag:s19] =	ssyncset.done $0x0  }
0x189: {  	[sflag:s19] =	ssyncadd.s32 $0xFFFFE000  }
.LBB2_4:
0x18a: {  	_ =	sfence.sel $0x180000  }
0x18b: {  	[bflag:$0x0] =	sbarrier.arrive $0xFFFF  }
0x18c: {  	_ =	strace $0x90000047  }
0x18d: {  	s0 =	stileid.u32;
	[bflag:$0x2] =	sbarrier.arrive $0xFFFF  }
0x18e: {  	p0 =	sne.s32 s0, $0x0;
	s0 =	rddreg [dreg:$0x4]  }
0x18f: {  	s0 =	sadd.s32 @!p0 $0x100000, s0  }
0x190: {  	[sflag:s0] =	ssyncadd.tile.s32 @!p0 $0x1;
	_ =	shalt  }
.Lfunc_end2:
_tile_overlayer_lowered:
.L_overlay_start_2:
0x191: {  	(tag) =	ssettag $0x2  }
0x192: {  	s0 =	rddreg [dreg:$0x0];
	s2 =	stileid.u32  }
0x193: {  	s1 =	rddreg [dreg:$0x1];
	p0 =	sne.s32 s2, $0x0  }
0x194: {  	s3 =	rddreg [dreg:$0x2];
	[bflag:$0x3] =	sbarrier.arrive $0xFFFF;
	s2 =	simm.s32 @!p0 $0x1C02  }
0x195: {  	[timem:s3], [sflag:s2] =	dma.local @!p0 [hbm:s0], s1  }
0x196: {  	s0 =	simm.s32 @!p0 $0x2  }
0x197: {  	_ =	swait.ge @!p0 [sflag:s0], s1  }
0x198: {  	s1 =	ssub.s32 @!p0 $0x0, s1;
	[sflag:s0] =	ssyncset.done @!p0 $0x0  }
0x199: {  	[sflag:s0] =	ssyncadd.s32 @!p0 s1  }
0x19a: {  	[bflag:$0x3] =	sbarrier.arrive $0xFFFF  }
0x19b: {  	_ =	shalt  }

</sc_bundles>
